<compile_context>
chip_gen: v7x
topology: tpu7x:2x2x1
jax: 0.10.2.dev20260603
libtpu: 0.0.44.dev20260713+nightly
codegen_flags: <defaults>
</compile_context>

<pallas_src>
import jax
import jax.numpy as jnp
from jax import lax
from jax.experimental import pallas as pl
from jax.experimental.pallas import tpu as pltpu
from jax.experimental.pallas import tpu_sc as plsc

N = 10000
IN_CH = 128
D = 32
SPACE = 3
K = 40
NB = 4
QB = 200
NC, NS = 2, 16
NW = NC * NS
QPW = 320
NPAD = NW * QPW
CAP = 4096



def _dist_body(q_ref, qq_ref, s_ref, s2_ref, d_ref):
    m = jax.lax.dot_general(q_ref[...], s_ref[...], (((1,), (1,)), ((), ())),
                            preferred_element_type=jnp.float32)
    d_ref[...] = (qq_ref[...] - 2.0 * m) + s2_ref[...]


def _dist_matrix(s_off):
    s2 = jnp.sum(s_off * s_off, axis=1)
    qq = s2.reshape(N, 1)
    s2r = s2.reshape(1, N)
    return pl.pallas_call(
        _dist_body,
        grid=(N // QB,),
        in_specs=[
            pl.BlockSpec((QB, SPACE), lambda i: (i, 0)),
            pl.BlockSpec((QB, 1), lambda i: (i, 0)),
            pl.BlockSpec((N, SPACE), lambda i: (0, 0)),
            pl.BlockSpec((1, N), lambda i: (0, 0)),
        ],
        out_specs=pl.BlockSpec((QB, N), lambda i: (i, 0)),
        out_shape=jax.ShapeDtypeStruct((N, N), jnp.float32),
    )(s_off, qq, s_off, s2r)



def _sc_body(d_hbm, qs_hbm, qe_hbm,
             dist_hbm, idx_hbm,
             dbuf, skey, sd, sidx, seld, selidx, tmpd, tmpi,
             sstart, send, odist, oidx):
    i32 = jnp.int32
    f32 = jnp.float32
    wid = lax.axis_index("s") * NC + lax.axis_index("c")
    base = wid * QPW
    qcnt = jnp.minimum(jnp.int32(QPW), jnp.int32(N) - base)

    pltpu.sync_copy(qs_hbm.at[pl.ds(base, QPW)], sstart.at[pl.ds(0, QPW)])
    pltpu.sync_copy(qe_hbm.at[pl.ds(base, QPW)], send.at[pl.ds(0, QPW)])

    def popcnt(m):
        return jnp.max(plsc.all_reduce_population_count(m))

    def per_query(i, t_carry):
        q = base + i
        pltpu.sync_copy(d_hbm.at[q], dbuf)
        i0 = lax.div(i, jnp.int32(16)) * 16
        lane = i - i0
        lm = jnp.arange(16, dtype=i32) == lane
        st = jnp.max(jnp.where(lm, sstart[pl.ds(i0, 16)], jnp.int32(-1)))
        en = jnp.max(jnp.where(lm, send[pl.ds(i0, 16)], jnp.int32(-1)))
        vs = lax.div(st, jnp.int32(16))
        ve = lax.div(en + jnp.int32(15), jnp.int32(16))

        def compact_pass(T):
            def cb(j, carry):
                ptr, craw = carry
                v = dbuf[pl.ds(j * 16, 16)]
                g = jnp.arange(16, dtype=i32) + j * 16
                m_raw = (v < T) & (g >= st) & (g < en)
                m = m_raw & (ptr < CAP)
                cpc = popcnt(m)

                @pl.when(cpc > 0)
                def _():
                    u = plsc.bitcast(v, i32)
                    key = u ^ jnp.where(v < 0.0, jnp.int32(0x7FFFFFFF),
                                        jnp.int32(0))
                    plsc.store_compressed(skey.at[pl.ds(ptr, 16)], key, mask=m)
                    plsc.store_compressed(sd.at[pl.ds(ptr, 16)], v, mask=m)
                    plsc.store_compressed(sidx.at[pl.ds(ptr, 16)], g, mask=m)

                return ptr + cpc, craw + popcnt(m_raw)
            return lax.fori_loop(vs, ve, cb, (jnp.int32(0), jnp.int32(0)))

        ptr0, craw0 = compact_pass(t_carry)

        def acond(stt):
            _T, _lo, _hi, _p, c, it = stt
            return ((c < K) | (c > CAP)) & (it < 48)

        def abody(stt):
            T, lo, hi, _p, c, it = stt
            lo2 = jnp.where(c < K, T, lo)
            hi2 = jnp.where(c > CAP, T, hi)
            have_hi = hi2 < 3.9e9
            have_lo = lo2 > -0.9e9
            mid = 0.5 * (lo2 + hi2)
            T_up = jnp.where(have_hi, mid,
                             jnp.where(T > 0, T * 4.0 + 1.0, T * 0.25 + 1.0))
            T_dn = jnp.where(have_lo, mid,
                             jnp.where(T > 0, T * 0.25 - 1.0, T * 4.0 - 1.0))
            T2 = jnp.where(c < K, T_up, T_dn)
            p2, c2 = compact_pass(T2)
            return (T2, lo2, hi2, p2, c2, it + 1)

        T, _, _, ptr, _, _ = lax.while_loop(
            acond, abody,
            (t_carry, jnp.float32(-1e9), jnp.float32(4e9), ptr0, craw0,
             jnp.int32(0)))

        skey[pl.ds(ptr, 16)] = jnp.full((16,), 0x7FFFFFFF, i32)
        nvec = lax.div(ptr + jnp.int32(15), jnp.int32(16))

        sbias = jnp.int32(-2147483648)

        def bit_body(bb, Ru):
            bit = jnp.int32(1) << (jnp.int32(31) - bb)
            test_s = (Ru | bit) ^ sbias

            def ccount(j, acc):
                kv = skey[pl.ds(j * 16, 16)]
                return acc + plsc.all_reduce_population_count(kv < test_s)
            cc = jnp.max(lax.fori_loop(jnp.int32(0), nvec, ccount,
                                       jnp.zeros((16,), i32)))
            return jnp.where(cc <= K - 1, Ru | bit, Ru)

        Ru = lax.fori_loop(0, 32, bit_body, jnp.int32(0))
        R = Ru ^ sbias

        def dcount(j, acc):
            kv = skey[pl.ds(j * 16, 16)]
            return acc + plsc.all_reduce_population_count(kv < R)
        c_lt = jnp.max(lax.fori_loop(jnp.int32(0), nvec, dcount,
                                     jnp.zeros((16,), i32)))
        m_eq = K - c_lt

        def dbody(j, carry):
            ptr2, m_rem = carry
            kv = skey[pl.ds(j * 16, 16)]
            dv = sd[pl.ds(j * 16, 16)]
            iv = sidx[pl.ds(j * 16, 16)]
            m_lt = kv < R
            plsc.store_compressed(seld.at[pl.ds(ptr2, 16)], dv, mask=m_lt)
            plsc.store_compressed(selidx.at[pl.ds(ptr2, 16)], iv, mask=m_lt)
            ptr2 = ptr2 + popcnt(m_lt)
            meq = kv == R
            neq = popcnt(meq)
            take = jnp.minimum(m_rem, neq)

            @pl.when(take > 0)
            def _():
                plsc.store_compressed(tmpd.at[pl.ds(0, 16)], dv, mask=meq)
                plsc.store_compressed(tmpi.at[pl.ds(0, 16)], iv, mask=meq)
                mt = jnp.arange(16, dtype=i32) < take
                plsc.store_compressed(seld.at[pl.ds(ptr2, 16)],
                                      tmpd[pl.ds(0, 16)], mask=mt)
                plsc.store_compressed(selidx.at[pl.ds(ptr2, 16)],
                                      tmpi[pl.ds(0, 16)], mask=mt)

            return ptr2 + take, m_rem - take

        lax.fori_loop(jnp.int32(0), nvec, dbody, (jnp.int32(0), m_eq))

        d0 = jnp.maximum(seld[pl.ds(0, 16)], 0.0)
        d1 = jnp.maximum(seld[pl.ds(16, 16)], 0.0)
        d2 = jnp.maximum(seld[pl.ds(24, 16)], 0.0)
        odist[pl.ds(i * K + 0, 16)] = d0
        odist[pl.ds(i * K + 16, 16)] = d1
        odist[pl.ds(i * K + 24, 16)] = d2
        oidx[pl.ds(i * K + 0, 16)] = selidx[pl.ds(0, 16)]
        oidx[pl.ds(i * K + 16, 16)] = selidx[pl.ds(16, 16)]
        oidx[pl.ds(i * K + 24, 16)] = selidx[pl.ds(24, 16)]

        maxd = jnp.maximum(jnp.max(seld[pl.ds(0, 16)]),
                           jnp.maximum(jnp.max(seld[pl.ds(16, 16)]),
                                       jnp.max(seld[pl.ds(24, 16)])))
        return maxd * 4.0 + 1e-2

    lax.fori_loop(jnp.int32(0), qcnt, per_query, jnp.float32(1.0))

    pltpu.sync_copy(odist, dist_hbm.at[pl.ds(base * K, QPW * K)])
    pltpu.sync_copy(oidx, idx_hbm.at[pl.ds(base * K, QPW * K)])


def _sc_select(d, qs, qe):
    f32 = jnp.float32
    i32 = jnp.int32
    mesh = plsc.VectorSubcoreMesh(core_axis_name="c", subcore_axis_name="s")
    fn = pl.kernel(
        _sc_body,
        out_type=(
            jax.ShapeDtypeStruct((NPAD * K,), f32),
            jax.ShapeDtypeStruct((NPAD * K,), i32),
        ),
        mesh=mesh,
        compiler_params=pltpu.CompilerParams(needs_layout_passes=False),
        scratch_types=[
            pltpu.VMEM((N,), f32),
            pltpu.VMEM((CAP + 32,), i32),
            pltpu.VMEM((CAP + 32,), f32),
            pltpu.VMEM((CAP + 32,), i32),
            pltpu.VMEM((64,), f32),
            pltpu.VMEM((64,), i32),
            pltpu.VMEM((32,), f32),
            pltpu.VMEM((32,), i32),
            pltpu.VMEM((QPW + 16,), i32),
            pltpu.VMEM((QPW + 16,), i32),
            pltpu.VMEM((QPW * K,), f32),
            pltpu.VMEM((QPW * K,), i32),
        ],
    )
    dist_f, idx_f = fn(d, qs, qe)
    return dist_f.reshape(NPAD, K), idx_f.reshape(NPAD, K)



def _elu_p(v):
    return jnp.where(v > 0, v, jnp.exp(jnp.minimum(v, 0.0)) - 1.0)


def _bn_in(h, g, b):
    m = jnp.mean(h, axis=0, keepdims=True)
    v = jnp.mean((h - m) ** 2, axis=0, keepdims=True)
    return (h - m) / jnp.sqrt(v + 1e-5) * g + b


def _post_body(h_ref, s_ref, mean_ref, max_ref, dist_ref,
               wo1_ref, wo2a_ref, wo2b_ref, bo2_ref,
               wpa_ref, wps_ref, wpc_ref, bp1_ref, wp2_ref, bp2_ref,
               g2_ref, be2_ref, p_ref, loss_ref):
    h = h_ref[...]
    dn = (((1,), (1,)), ((), ()))
    f32 = jnp.float32
    xgn = (jax.lax.dot_general(h, wo1_ref[...], dn, preferred_element_type=f32)
           + jax.lax.dot_general(mean_ref[...], wo2a_ref[...], dn, preferred_element_type=f32)
           + jax.lax.dot_general(max_ref[...], wo2b_ref[...], dn, preferred_element_type=f32)
           + bo2_ref[...])
    p = _elu_p(jax.lax.dot_general(xgn, wpa_ref[...], dn, preferred_element_type=f32)
               + jax.lax.dot_general(s_ref[...], wps_ref[...], dn, preferred_element_type=f32)
               + jax.lax.dot_general(h, wpc_ref[...], dn, preferred_element_type=f32)
               + bp1_ref[...])
    p = _elu_p(jax.lax.dot_general(p, wp2_ref[...], dn, preferred_element_type=f32)
               + bp2_ref[...])
    p_ref[...] = _bn_in(p, g2_ref[...], be2_ref[...])
    loss_ref[...] = jnp.mean(jnp.sqrt(dist_ref[...] + 1e-12), keepdims=True)


def _bn(h, g, b):
    m = jnp.mean(h, axis=0)
    v = jnp.var(h, axis=0)
    return (h - m) / jnp.sqrt(v + 1e-5) * g + b


def kernel(x, batch, original_coords, W_pre1, b_pre1, W_pre2, b_pre2, gamma1,
           beta1, W_s, b_s, W_h, b_h, W_out1, W_out2, b_out2, W_post1, b_post1,
           W_post2, b_post2, gamma2, beta2):
    f32 = jnp.float32
    i32 = jnp.int32

    h = jax.nn.elu(x @ W_pre1.T + b_pre1)
    h = jax.nn.elu(h @ W_pre2.T + b_pre2)
    h = _bn(h, gamma1, beta1)
    s = h @ W_s.T + b_s
    feat = h @ W_h.T + b_h
    s_off = s + batch[:, None].astype(s.dtype) * 1000.0

    ar = jnp.arange(NB, dtype=batch.dtype)
    bstart = jnp.searchsorted(batch, ar, side="left").astype(i32)
    bend = jnp.searchsorted(batch, ar, side="right").astype(i32)
    qs = bstart[batch]
    qe = bend[batch]
    ln = qe - qs
    qs = jnp.where(ln >= K, qs, 0)
    qe = jnp.where(ln >= K, qe, N)
    qs = jnp.concatenate([qs, jnp.zeros((NPAD - N,), i32)])
    qe = jnp.concatenate([qe, jnp.full((NPAD - N,), N, i32)])

    d = _dist_matrix(s_off)
    dist_f, idx_f = _sc_select(d, qs, qe)
    dist_sq = dist_f[:N]
    idx = idx_f[:N]
    w = jnp.exp(-10.0 * dist_sq)
    nb = feat[idx]
    msg = nb * w[..., None]
    mean_agg = jnp.mean(msg, axis=1)
    max_agg = jnp.max(msg, axis=1)

    p, loss = pl.pallas_call(
        _post_body,
        out_shape=(
            jax.ShapeDtypeStruct((N, D), f32),
            jax.ShapeDtypeStruct((1, 1), f32),
        ),
    )(h, jnp.zeros((N, 8), f32).at[:, :SPACE].set(s), mean_agg, max_agg,
      dist_sq,
      W_out1, W_out2[:, :D], W_out2[:, D:], b_out2.reshape(1, D),
      W_post1[:, :D],
      jnp.zeros((D, 8), f32).at[:, :SPACE].set(W_post1[:, D:D + SPACE]),
      W_post1[:, D + SPACE:], b_post1.reshape(1, D), W_post2,
      b_post2.reshape(1, D), gamma2.reshape(1, D), beta2.reshape(1, D))

    return (p, loss.reshape(()), jnp.float32(0.0))

# --- scband reference (transcript-rebuilt; emitter-appended) ---
"""Pipeline reference for scband-grav-net-block-12575664243247 (READ-ONLY COPY).

The authoritative reference and input builder live on the scoring server;
editing this copy changes nothing except your own understanding.
"""

import jax, jax.numpy as jnp
import numpy as np

N = 10000
IN_CH = 128
D = 32
SPACE = 3
K = 40
NB = 4

def _xavier(key, fan_out, fan_in):
    lim = np.sqrt(6.0 / (fan_in + fan_out))
    return jax.random.uniform(key, (fan_out, fan_in), jnp.float32, -lim, lim)

def setup_inputs(seed: int = 0):
    key = jax.random.key(seed)
    ks = jax.random.split(key, 16)
    inp = {}
    inp["x"] = jax.random.normal(ks[0], (N, IN_CH), jnp.float32)
    inp["batch"] = jnp.sort(jax.random.randint(ks[1], (N,), 0, NB, jnp.int32))
    inp["original_coords"] = jax.random.normal(ks[2], (N, SPACE), jnp.float32)
    inp["W_pre1"] = _xavier(ks[3], D, IN_CH); inp["b_pre1"] = jnp.zeros((D,), jnp.float32)
    inp["W_pre2"] = _xavier(ks[4], D, D); inp["b_pre2"] = jnp.zeros((D,), jnp.float32)
    inp["gamma1"] = jnp.ones((D,), jnp.float32); inp["beta1"] = jnp.zeros((D,), jnp.float32)
    inp["W_s"] = _xavier(ks[5], SPACE, D); inp["b_s"] = jnp.zeros((SPACE,), jnp.float32)
    inp["W_h"] = _xavier(ks[6], D, D); inp["b_h"] = jnp.zeros((D,), jnp.float32)
    inp["W_out1"] = _xavier(ks[7], D, D)
    inp["W_out2"] = _xavier(ks[8], D, 2 * D); inp["b_out2"] = jnp.zeros((D,), jnp.float32)
    inp["W_post1"] = _xavier(ks[9], D, D + SPACE + D); inp["b_post1"] = jnp.zeros((D,), jnp.float32)
    inp["W_post2"] = _xavier(ks[10], D, D); inp["b_post2"] = jnp.zeros((D,), jnp.float32)
    inp["gamma2"] = jnp.ones((D,), jnp.float32); inp["beta2"] = jnp.zeros((D,), jnp.float32)
    return inp

def _bn(h, g, b):
    m = jnp.mean(h, axis=0)
    v = jnp.var(h, axis=0)
    return (h - m) / jnp.sqrt(v + 1e-5) * g + b

def _knn(s, k, chunk):
    n = s.shape[0]
    s2 = jnp.sum(s * s, axis=1)
    def body(q):
        d = jnp.sum(q * q, axis=1)[:, None] - 2.0 * (q @ s.T) + s2[None, :]
        nd, idx = jax.lax.top_k(-d, k)
        return -nd, idx
    qs = s.reshape(n // chunk, chunk, s.shape[1])
    d, idx = jax.lax.map(body, qs)
    return jnp.maximum(d.reshape(n, k), 0.0), idx.reshape(n, k)

def reference(x, batch, original_coords, W_pre1, b_pre1, W_pre2, b_pre2, gamma1, beta1, W_s, b_s, W_h, b_h, W_out1, W_out2, b_out2, W_post1, b_post1, W_post2, b_post2, gamma2, beta2):
    h = jax.nn.elu(x @ W_pre1.T + b_pre1)
    h = jax.nn.elu(h @ W_pre2.T + b_pre2)
    h = _bn(h, gamma1, beta1)
    x_input = h
    s = h @ W_s.T + b_s
    feat = h @ W_h.T + b_h
    s_off = s + batch[:, None].astype(s.dtype) * 1000.0
    dist_sq, idx = _knn(s_off, K, 500)
    w = jnp.exp(-10.0 * dist_sq)
    nb = feat[idx]
    msg = nb * w[..., None]
    mean_agg = jnp.mean(msg, axis=1)
    max_agg = jnp.max(msg, axis=1)
    xgn = h @ W_out1.T + jnp.concatenate([mean_agg, max_agg], axis=1) @ W_out2.T + b_out2
    loss_reg = jnp.mean(jnp.sqrt(dist_sq + 1e-12))
    cat = jnp.concatenate([xgn, s, x_input], axis=1)
    p = jax.nn.elu(cat @ W_post1.T + b_post1)
    p = jax.nn.elu(p @ W_post2.T + b_post2)
    p = _bn(p, gamma2, beta2)
    return (p, loss_reg, jnp.float32(0.0))

if __name__ == "__main__":
    import jax
    _d = setup_inputs()
    print(jax.jit(kernel)(*tuple(_d.values())))

</pallas_src>

<mosaic_0001>
#map = affine_map<(d0, d1) -> (0, 0)>
#map1 = affine_map<(d0, d1) -> (0)>
module attributes {stable_mosaic.version = 14 : i64} {
  func.func @_sc_body(%arg0: i32, %arg1: i32, %arg2: memref<10000x10000xf32, #tpu.memory_space<hbm>>, %arg3: memref<10240xi32, #tpu.memory_space<hbm>>, %arg4: memref<10240xi32, #tpu.memory_space<hbm>>, %arg5: memref<409600xf32, #tpu.memory_space<hbm>>, %arg6: memref<409600xi32, #tpu.memory_space<hbm>>, %arg7: memref<10000xf32, #tpu.memory_space<vmem>>, %arg8: memref<4128xi32, #tpu.memory_space<vmem>>, %arg9: memref<4128xf32, #tpu.memory_space<vmem>>, %arg10: memref<4128xi32, #tpu.memory_space<vmem>>, %arg11: memref<64xf32, #tpu.memory_space<vmem>>, %arg12: memref<64xi32, #tpu.memory_space<vmem>>, %arg13: memref<32xf32, #tpu.memory_space<vmem>>, %arg14: memref<32xi32, #tpu.memory_space<vmem>>, %arg15: memref<336xi32, #tpu.memory_space<vmem>>, %arg16: memref<336xi32, #tpu.memory_space<vmem>>, %arg17: memref<12800xf32, #tpu.memory_space<vmem>>, %arg18: memref<12800xi32, #tpu.memory_space<vmem>>) attributes {dimension_semantics = [#tpu.dimension_semantics<core_parallel>, #tpu.dimension_semantics<subcore_parallel>], iteration_bounds = array<i64: 2, 16>, scalar_prefetch = 0 : i64, scratch_operands = 12 : i64, tpu.core_type = #tpu.core_type<sc_vector_subcore>, window_params = [{transform_indices = #map}, {transform_indices = #map1}, {transform_indices = #map1}, {transform_indices = #map1}, {transform_indices = #map1}]} {
    %mul3A = arith.constant 2 : i32
    %mul3A_0 = arith.muli %arg1, %mul3A : i32
    %add3A = arith.addi %mul3A_0, %arg0 : i32
    %mul3A_1 = arith.constant 320 : i32
    %mul3A_2 = arith.muli %add3A, %mul3A_1 : i32
    %sub3A = arith.constant 10000 : i32
    %sub3A_3 = arith.subi %sub3A, %mul3A_2 : i32
    %min3A = arith.constant 320 : i32
    %min3A_4 = arith.minsi %min3A, %sub3A_3 : i32
    "tpu.region"() ({
      %run_scoped3A = tpu.sem_alloc : memref<!tpu.dma_semaphore, #tpu.memory_space<semaphore_mem>>
      %dma_start3A = arith.constant 0 : i32
      %dma_start3A_20 = tpu.memref_slice %arg15[%dma_start3A] : memref<336xi32, #tpu.memory_space<vmem>> -> memref<320xi32, #tpu.memory_space<vmem>>
      %dma_start3A_21 = tpu.memref_slice %arg3[%mul3A_2] : memref<10240xi32, #tpu.memory_space<hbm>> -> memref<320xi32, #tpu.memory_space<hbm>>
      %dma_start3A_22 = arith.constant 0 : i32
      %dma_start3A_23 = tpu.memref_slice %arg15[%dma_start3A_22] : memref<336xi32, #tpu.memory_space<vmem>> -> memref<320xi32, #tpu.memory_space<vmem>>
      %dma_start3A_24 = tpu.memref_slice %arg3[%mul3A_2] : memref<10240xi32, #tpu.memory_space<hbm>> -> memref<320xi32, #tpu.memory_space<hbm>>
      tpu.enqueue_dma source(%dma_start3A_24 : memref<320xi32, #tpu.memory_space<hbm>>) target(%dma_start3A_23 : memref<320xi32, #tpu.memory_space<vmem>>) target_semaphore(%run_scoped3A : memref<!tpu.dma_semaphore, #tpu.memory_space<semaphore_mem>>)
      %dma_wait3A = arith.constant 0 : i32
      %dma_wait3A_25 = tpu.memref_slice %arg15[%dma_wait3A] : memref<336xi32, #tpu.memory_space<vmem>> -> memref<320xi32, #tpu.memory_space<vmem>>
      %dma_wait3A_26 = tpu.memref_slice %arg3[%mul3A_2] : memref<10240xi32, #tpu.memory_space<hbm>> -> memref<320xi32, #tpu.memory_space<hbm>>
      %dma_wait3A_27 = arith.constant 0 : i32
      %dma_wait3A_28 = tpu.memref_slice %arg15[%dma_wait3A_27] : memref<336xi32, #tpu.memory_space<vmem>> -> memref<320xi32, #tpu.memory_space<vmem>>
      %dma_wait3A_29 = tpu.memref_slice %arg3[%mul3A_2] : memref<10240xi32, #tpu.memory_space<hbm>> -> memref<320xi32, #tpu.memory_space<hbm>>
      tpu.wait_dma2 semaphore(%run_scoped3A : memref<!tpu.dma_semaphore, #tpu.memory_space<semaphore_mem>>) src(%dma_wait3A_29 : memref<320xi32, #tpu.memory_space<hbm>>) dst(%dma_wait3A_28 : memref<320xi32, #tpu.memory_space<vmem>>)
      tpu.yield
    }) : () -> ()
    "tpu.region"() ({
      %run_scoped3A = tpu.sem_alloc : memref<!tpu.dma_semaphore, #tpu.memory_space<semaphore_mem>>
      %dma_start3A = arith.constant 0 : i32
      %dma_start3A_20 = tpu.memref_slice %arg16[%dma_start3A] : memref<336xi32, #tpu.memory_space<vmem>> -> memref<320xi32, #tpu.memory_space<vmem>>
      %dma_start3A_21 = tpu.memref_slice %arg4[%mul3A_2] : memref<10240xi32, #tpu.memory_space<hbm>> -> memref<320xi32, #tpu.memory_space<hbm>>
      %dma_start3A_22 = arith.constant 0 : i32
      %dma_start3A_23 = tpu.memref_slice %arg16[%dma_start3A_22] : memref<336xi32, #tpu.memory_space<vmem>> -> memref<320xi32, #tpu.memory_space<vmem>>
      %dma_start3A_24 = tpu.memref_slice %arg4[%mul3A_2] : memref<10240xi32, #tpu.memory_space<hbm>> -> memref<320xi32, #tpu.memory_space<hbm>>
      tpu.enqueue_dma source(%dma_start3A_24 : memref<320xi32, #tpu.memory_space<hbm>>) target(%dma_start3A_23 : memref<320xi32, #tpu.memory_space<vmem>>) target_semaphore(%run_scoped3A : memref<!tpu.dma_semaphore, #tpu.memory_space<semaphore_mem>>)
      %dma_wait3A = arith.constant 0 : i32
      %dma_wait3A_25 = tpu.memref_slice %arg16[%dma_wait3A] : memref<336xi32, #tpu.memory_space<vmem>> -> memref<320xi32, #tpu.memory_space<vmem>>
      %dma_wait3A_26 = tpu.memref_slice %arg4[%mul3A_2] : memref<10240xi32, #tpu.memory_space<hbm>> -> memref<320xi32, #tpu.memory_space<hbm>>
      %dma_wait3A_27 = arith.constant 0 : i32
      %dma_wait3A_28 = tpu.memref_slice %arg16[%dma_wait3A_27] : memref<336xi32, #tpu.memory_space<vmem>> -> memref<320xi32, #tpu.memory_space<vmem>>
      %dma_wait3A_29 = tpu.memref_slice %arg4[%mul3A_2] : memref<10240xi32, #tpu.memory_space<hbm>> -> memref<320xi32, #tpu.memory_space<hbm>>
      tpu.wait_dma2 semaphore(%run_scoped3A : memref<!tpu.dma_semaphore, #tpu.memory_space<semaphore_mem>>) src(%dma_wait3A_29 : memref<320xi32, #tpu.memory_space<hbm>>) dst(%dma_wait3A_28 : memref<320xi32, #tpu.memory_space<vmem>>)
      tpu.yield
    }) : () -> ()
    %while3A = arith.constant 0 : i32
    %while3A_5 = arith.constant 1.000000e+00 : f32
    %while3A_6 = arith.subi %min3A_4, %while3A : i32
    %while3A_7 = arith.addi %while3A, %while3A_6 : i32
    %while3A_8 = arith.constant 1 : i32
    %while3A_9 = arith.divsi %while3A_6, %while3A_8 : i32
    %while3A_10 = arith.muli %while3A_9, %while3A_8 : i32
    %while3A_11 = arith.addi %while3A, %while3A_10 : i32
    %while3A_12 = arith.constant 1 : i32
    %while3A_13 = scf.for %while3A_20 = %while3A to %while3A_11 step %while3A_12 iter_args(%while3A_21 = %while3A_5) -> (f32)  : i32 {
      %add3A_22 = arith.addi %mul3A_2, %while3A_20 : i32
      "tpu.region"() ({
        %run_scoped3A = tpu.sem_alloc : memref<!tpu.dma_semaphore, #tpu.memory_space<semaphore_mem>>
        %dma_start3A = arith.constant 0 : i32
        %dma_start3A_201 = tpu.memref_slice %arg2[%add3A_22, %dma_start3A] : memref<10000x10000xf32, #tpu.memory_space<hbm>> -> memref<1x10000xf32, #tpu.memory_space<hbm>>
        %dma_start3A_202 = tpu.memref_squeeze %dma_start3A_201 : memref<1x10000xf32, #tpu.memory_space<hbm>> -> memref<10000xf32, #tpu.memory_space<hbm>>
        %dma_start3A_203 = arith.constant 0 : i32
        %dma_start3A_204 = tpu.memref_slice %arg2[%add3A_22, %dma_start3A_203] : memref<10000x10000xf32, #tpu.memory_space<hbm>> -> memref<1x10000xf32, #tpu.memory_space<hbm>>
        %dma_start3A_205 = tpu.memref_squeeze %dma_start3A_204 : memref<1x10000xf32, #tpu.memory_space<hbm>> -> memref<10000xf32, #tpu.memory_space<hbm>>
        tpu.enqueue_dma source(%dma_start3A_205 : memref<10000xf32, #tpu.memory_space<hbm>>) target(%arg7 : memref<10000xf32, #tpu.memory_space<vmem>>) target_semaphore(%run_scoped3A : memref<!tpu.dma_semaphore, #tpu.memory_space<semaphore_mem>>)
        %dma_wait3A = arith.constant 0 : i32
        %dma_wait3A_206 = tpu.memref_slice %arg2[%add3A_22, %dma_wait3A] : memref<10000x10000xf32, #tpu.memory_space<hbm>> -> memref<1x10000xf32, #tpu.memory_space<hbm>>
        %dma_wait3A_207 = tpu.memref_squeeze %dma_wait3A_206 : memref<1x10000xf32, #tpu.memory_space<hbm>> -> memref<10000xf32, #tpu.memory_space<hbm>>
        %dma_wait3A_208 = arith.constant 0 : i32
        %dma_wait3A_209 = tpu.memref_slice %arg2[%add3A_22, %dma_wait3A_208] : memref<10000x10000xf32, #tpu.memory_space<hbm>> -> memref<1x10000xf32, #tpu.memory_space<hbm>>
        %dma_wait3A_210 = tpu.memref_squeeze %dma_wait3A_209 : memref<1x10000xf32, #tpu.memory_space<hbm>> -> memref<10000xf32, #tpu.memory_space<hbm>>
        tpu.wait_dma2 semaphore(%run_scoped3A : memref<!tpu.dma_semaphore, #tpu.memory_space<semaphore_mem>>) src(%dma_wait3A_210 : memref<10000xf32, #tpu.memory_space<hbm>>) dst(%arg7 : memref<10000xf32, #tpu.memory_space<vmem>>)
        tpu.yield
      }) : () -> ()
      %div3A = arith.constant 16 : i32
      %div3A_23 = arith.divsi %while3A_20, %div3A : i32
      %mul3A_24 = arith.constant 16 : i32
      %mul3A_25 = arith.muli %div3A_23, %mul3A_24 : i32
      %sub3A_26 = arith.subi %while3A_20, %mul3A_25 : i32
      %iota3A = tpu.iota {dimensions = array<i32: 0>} : vector<16xi32>
      %eq3A = vector.broadcast %sub3A_26 : i32 to vector<16xi32>
      %eq3A_27 = arith.cmpi eq, %iota3A, %eq3A : vector<16xi32>
      %get3A = arith.index_cast %mul3A_25 : i32 to index
      %get3A_28 = tpu.vector_load %arg15[%get3A] {strides = array<i32>} : memref<336xi32, #tpu.memory_space<vmem>>, vector<16xi32>,
      %jit3A = arith.constant -1 : i32
      %broadcast_in_dim3A = vector.broadcast %jit3A : i32 to vector<16xi32>
      %select_n3A = arith.select %eq3A_27, %get3A_28, %broadcast_in_dim3A : vector<16xi1>, vector<16xi32>
      %reduce_max3A = arith.constant true
      %reduce_max3A_29 = vector.broadcast %reduce_max3A : i1 to vector<16xi1>
      %reduce_max3A_30 = arith.constant -2147483648 : i32
      %reduce_max3A_31 = vector.broadcast %reduce_max3A_30 : i32 to vector<16xi32>
      %reduce_max3A_32 = arith.xori %select_n3A, %reduce_max3A_31 : vector<16xi32>
      %reduce_max3A_33 = tpu.scan <max>, %reduce_max3A_32 masked %reduce_max3A_29 : vector<16xi32>, vector<16xi1> -> vector<16xi32>
      %reduce_max3A_34 = arith.xori %reduce_max3A_33, %reduce_max3A_31 : vector<16xi32>
      %reduce_max3A_35 = vector.extract %reduce_max3A_34[15] : i32 from vector<16xi32>
      %get3A_36 = arith.index_cast %mul3A_25 : i32 to index
      %get3A_37 = tpu.vector_load %arg16[%get3A_36] {strides = array<i32>} : memref<336xi32, #tpu.memory_space<vmem>>, vector<16xi32>,
      %jit3A_38 = arith.constant -1 : i32
      %broadcast_in_dim3A_39 = vector.broadcast %jit3A_38 : i32 to vector<16xi32>
      %select_n3A_40 = arith.select %eq3A_27, %get3A_37, %broadcast_in_dim3A_39 : vector<16xi1>, vector<16xi32>
      %reduce_max3A_41 = arith.constant true
      %reduce_max3A_42 = vector.broadcast %reduce_max3A_41 : i1 to vector<16xi1>
      %reduce_max3A_43 = arith.constant -2147483648 : i32
      %reduce_max3A_44 = vector.broadcast %reduce_max3A_43 : i32 to vector<16xi32>
      %reduce_max3A_45 = arith.xori %select_n3A_40, %reduce_max3A_44 : vector<16xi32>
      %reduce_max3A_46 = tpu.scan <max>, %reduce_max3A_45 masked %reduce_max3A_42 : vector<16xi32>, vector<16xi1> -> vector<16xi32>
      %reduce_max3A_47 = arith.xori %reduce_max3A_46, %reduce_max3A_44 : vector<16xi32>
      %reduce_max3A_48 = vector.extract %reduce_max3A_47[15] : i32 from vector<16xi32>
      %div3A_49 = arith.constant 16 : i32
      %div3A_50 = arith.divsi %reduce_max3A_35, %div3A_49 : i32
      %add3A_51 = arith.constant 15 : i32
      %add3A_52 = arith.addi %reduce_max3A_48, %add3A_51 : i32
      %div3A_53 = arith.constant 16 : i32
      %div3A_54 = arith.divsi %add3A_52, %div3A_53 : i32
      %while3A_55 = arith.constant 0 : i32
      %while3A_56 = arith.constant 0 : i32
      %while3A_57 = arith.subi %div3A_54, %div3A_50 : i32
      %while3A_58 = arith.addi %div3A_50, %while3A_57 : i32
      %while3A_59 = arith.constant 1 : i32
      %while3A_60 = arith.divsi %while3A_57, %while3A_59 : i32
      %while3A_61 = arith.muli %while3A_60, %while3A_59 : i32
      %while3A_62 = arith.addi %div3A_50, %while3A_61 : i32
      %while3A_63 = arith.constant 1 : i32
      %while3A_64:2 = scf.for %while3A_201 = %div3A_50 to %while3A_62 step %while3A_63 iter_args(%while3A_202 = %while3A_55, %while3A_203 = %while3A_56) -> (i32, i32)  : i32 {
        %mul3A_204 = arith.constant 16 : i32
        %mul3A_205 = arith.muli %while3A_201, %mul3A_204 : i32
        %get3A_206 = arith.index_cast %mul3A_205 : i32 to index
        %get3A_207 = tpu.vector_load %arg7[%get3A_206] {strides = array<i32>} : memref<10000xf32, #tpu.memory_space<vmem>>, vector<16xf32>,
        %iota3A_208 = tpu.iota {dimensions = array<i32: 0>} : vector<16xi32>
        %mul3A_209 = arith.constant 16 : i32
        %mul3A_210 = arith.muli %while3A_201, %mul3A_209 : i32
        %add3A_211 = vector.broadcast %mul3A_210 : i32 to vector<16xi32>
        %add3A_212 = arith.addi %iota3A_208, %add3A_211 : vector<16xi32>
        %lt3A = vector.broadcast %while3A_21 : f32 to vector<16xf32>
        %lt3A_213 = arith.cmpf olt, %get3A_207, %lt3A : vector<16xf32>
        %ge3A = vector.broadcast %reduce_max3A_35 : i32 to vector<16xi32>
        %ge3A_214 = arith.cmpi sge, %add3A_212, %ge3A : vector<16xi32>
        %and3A = arith.andi %lt3A_213, %ge3A_214 : vector<16xi1>
        %lt3A_215 = vector.broadcast %reduce_max3A_48 : i32 to vector<16xi32>
        %lt3A_216 = arith.cmpi slt, %add3A_212, %lt3A_215 : vector<16xi32>
        %and3A_217 = arith.andi %and3A, %lt3A_216 : vector<16xi1>
        %lt3A_218 = arith.constant 4096 : i32
        %lt3A_219 = arith.cmpi slt, %while3A_202, %lt3A_218 : i32
        %and3A_220 = vector.broadcast %lt3A_219 : i1 to vector<16xi1>
        %and3A_221 = arith.andi %and3A_217, %and3A_220 : vector<16xi1>
        %all_reduce_population_count3A = tpu.all_reduce %and3A_221 {dim = 0 : i64, kind = #tpu.reduction_kind<sum>} : vector<16xi1> -> vector<16xi32>
        %reduce_max3A_222 = arith.constant true
        %reduce_max3A_223 = vector.broadcast %reduce_max3A_222 : i1 to vector<16xi1>
        %reduce_max3A_224 = arith.constant -2147483648 : i32
        %reduce_max3A_225 = vector.broadcast %reduce_max3A_224 : i32 to vector<16xi32>
        %reduce_max3A_226 = arith.xori %all_reduce_population_count3A, %reduce_max3A_225 : vector<16xi32>
        %reduce_max3A_227 = tpu.scan <max>, %reduce_max3A_226 masked %reduce_max3A_223 : vector<16xi32>, vector<16xi1> -> vector<16xi32>
        %reduce_max3A_228 = arith.xori %reduce_max3A_227, %reduce_max3A_225 : vector<16xi32>
        %reduce_max3A_229 = vector.extract %reduce_max3A_228[15] : i32 from vector<16xi32>
        %gt3A = arith.constant 0 : i32
        %gt3A_230 = arith.cmpi sgt, %reduce_max3A_229, %gt3A : i32
        %convert_element_type3A = arith.extui %gt3A_230 : i1 to i32
        %cond3A = arith.constant 0 : i32
        %cond3A_231 = arith.cmpi ne, %convert_element_type3A, %cond3A : i32
        scf.if %cond3A_231 {
          %bitcast3A = vector.bitcast %get3A_207 : vector<16xf32> to vector<16xi32>
          %lt3A_243 = arith.constant 0.000000e+00 : f32
          %lt3A_244 = vector.broadcast %lt3A_243 : f32 to vector<16xf32>
          %lt3A_245 = arith.cmpf olt, %get3A_207, %lt3A_244 : vector<16xf32>
          %jit3A_246 = arith.constant 2147483647 : i32
          %jit3A_247 = arith.constant 0 : i32
          %broadcast_in_dim3A_248 = vector.broadcast %jit3A_246 : i32 to vector<16xi32>
          %broadcast_in_dim3A_249 = vector.broadcast %jit3A_247 : i32 to vector<16xi32>
          %select_n3A_250 = arith.select %lt3A_245, %broadcast_in_dim3A_248, %broadcast_in_dim3A_249 : vector<16xi1>, vector<16xi32>
          %xor3A_251 = arith.xori %bitcast3A, %select_n3A_250 : vector<16xi32>
          %swap3A_252 = arith.index_cast %while3A_202 : i32 to index
          %swap3A_253 = tpu.vector_load %arg8[%swap3A_252] masked %and3A_221 {strides = array<i32>} : memref<4128xi32, #tpu.memory_space<vmem>>, vector<16xi32>, vector<16xi1>
          tpu.vector_store %arg8[%swap3A_252], %xor3A_251 masked %and3A_221 {strides = array<i32>} : memref<4128xi32, #tpu.memory_space<vmem>>, vector<16xi32>, vector<16xi1>
          %swap3A_254 = arith.index_cast %while3A_202 : i32 to index
          %swap3A_255 = tpu.vector_load %arg9[%swap3A_254] masked %and3A_221 {strides = array<i32>} : memref<4128xf32, #tpu.memory_space<vmem>>, vector<16xf32>, vector<16xi1>
          tpu.vector_store %arg9[%swap3A_254], %get3A_207 masked %and3A_221 {strides = array<i32>} : memref<4128xf32, #tpu.memory_space<vmem>>, vector<16xf32>, vector<16xi1>
          %swap3A_256 = arith.index_cast %while3A_202 : i32 to index
          %swap3A_257 = tpu.vector_load %arg10[%swap3A_256] masked %and3A_221 {strides = array<i32>} : memref<4128xi32, #tpu.memory_space<vmem>>, vector<16xi32>, vector<16xi1>
          tpu.vector_store %arg10[%swap3A_256], %add3A_212 masked %and3A_221 {strides = array<i32>} : memref<4128xi32, #tpu.memory_space<vmem>>, vector<16xi32>, vector<16xi1>
        } else {
        }
        %add3A_232 = arith.addi %while3A_202, %reduce_max3A_229 : i32
        %all_reduce_population_count3A_233 = tpu.all_reduce %and3A_217 {dim = 0 : i64, kind = #tpu.reduction_kind<sum>} : vector<16xi1> -> vector<16xi32>
        %reduce_max3A_234 = arith.constant true
        %reduce_max3A_235 = vector.broadcast %reduce_max3A_234 : i1 to vector<16xi1>
        %reduce_max3A_236 = arith.constant -2147483648 : i32
        %reduce_max3A_237 = vector.broadcast %reduce_max3A_236 : i32 to vector<16xi32>
        %reduce_max3A_238 = arith.xori %all_reduce_population_count3A_233, %reduce_max3A_237 : vector<16xi32>
        %reduce_max3A_239 = tpu.scan <max>, %reduce_max3A_238 masked %reduce_max3A_235 : vector<16xi32>, vector<16xi1> -> vector<16xi32>
        %reduce_max3A_240 = arith.xori %reduce_max3A_239, %reduce_max3A_237 : vector<16xi32>
        %reduce_max3A_241 = vector.extract %reduce_max3A_240[15] : i32 from vector<16xi32>
        %add3A_242 = arith.addi %while3A_203, %reduce_max3A_241 : i32
        scf.yield %add3A_232, %add3A_242 : i32, i32
      }
      %while3A_65 = arith.constant 1 : i32
      %while3A_66:2 = scf.for %while3A_201 = %while3A_62 to %while3A_58 step %while3A_65 iter_args(%while3A_202 = %while3A_64#0, %while3A_203 = %while3A_64#1) -> (i32, i32)  : i32 {
        %mul3A_204 = arith.constant 16 : i32
        %mul3A_205 = arith.muli %while3A_201, %mul3A_204 : i32
        %get3A_206 = arith.index_cast %mul3A_205 : i32 to index
        %get3A_207 = tpu.vector_load %arg7[%get3A_206] {strides = array<i32>} : memref<10000xf32, #tpu.memory_space<vmem>>, vector<16xf32>,
        %iota3A_208 = tpu.iota {dimensions = array<i32: 0>} : vector<16xi32>
        %mul3A_209 = arith.constant 16 : i32
        %mul3A_210 = arith.muli %while3A_201, %mul3A_209 : i32
        %add3A_211 = vector.broadcast %mul3A_210 : i32 to vector<16xi32>
        %add3A_212 = arith.addi %iota3A_208, %add3A_211 : vector<16xi32>
        %lt3A = vector.broadcast %while3A_21 : f32 to vector<16xf32>
        %lt3A_213 = arith.cmpf olt, %get3A_207, %lt3A : vector<16xf32>
        %ge3A = vector.broadcast %reduce_max3A_35 : i32 to vector<16xi32>
        %ge3A_214 = arith.cmpi sge, %add3A_212, %ge3A : vector<16xi32>
        %and3A = arith.andi %lt3A_213, %ge3A_214 : vector<16xi1>
        %lt3A_215 = vector.broadcast %reduce_max3A_48 : i32 to vector<16xi32>
        %lt3A_216 = arith.cmpi slt, %add3A_212, %lt3A_215 : vector<16xi32>
        %and3A_217 = arith.andi %and3A, %lt3A_216 : vector<16xi1>
        %lt3A_218 = arith.constant 4096 : i32
        %lt3A_219 = arith.cmpi slt, %while3A_202, %lt3A_218 : i32
        %and3A_220 = vector.broadcast %lt3A_219 : i1 to vector<16xi1>
        %and3A_221 = arith.andi %and3A_217, %and3A_220 : vector<16xi1>
        %all_reduce_population_count3A = tpu.all_reduce %and3A_221 {dim = 0 : i64, kind = #tpu.reduction_kind<sum>} : vector<16xi1> -> vector<16xi32>
        %reduce_max3A_222 = arith.constant true
        %reduce_max3A_223 = vector.broadcast %reduce_max3A_222 : i1 to vector<16xi1>
        %reduce_max3A_224 = arith.constant -2147483648 : i32
        %reduce_max3A_225 = vector.broadcast %reduce_max3A_224 : i32 to vector<16xi32>
        %reduce_max3A_226 = arith.xori %all_reduce_population_count3A, %reduce_max3A_225 : vector<16xi32>
        %reduce_max3A_227 = tpu.scan <max>, %reduce_max3A_226 masked %reduce_max3A_223 : vector<16xi32>, vector<16xi1> -> vector<16xi32>
        %reduce_max3A_228 = arith.xori %reduce_max3A_227, %reduce_max3A_225 : vector<16xi32>
        %reduce_max3A_229 = vector.extract %reduce_max3A_228[15] : i32 from vector<16xi32>
        %gt3A = arith.constant 0 : i32
        %gt3A_230 = arith.cmpi sgt, %reduce_max3A_229, %gt3A : i32
        %convert_element_type3A = arith.extui %gt3A_230 : i1 to i32
        %cond3A = arith.constant 0 : i32
        %cond3A_231 = arith.cmpi ne, %convert_element_type3A, %cond3A : i32
        scf.if %cond3A_231 {
          %bitcast3A = vector.bitcast %get3A_207 : vector<16xf32> to vector<16xi32>
          %lt3A_243 = arith.constant 0.000000e+00 : f32
          %lt3A_244 = vector.broadcast %lt3A_243 : f32 to vector<16xf32>
          %lt3A_245 = arith.cmpf olt, %get3A_207, %lt3A_244 : vector<16xf32>
          %jit3A_246 = arith.constant 2147483647 : i32
          %jit3A_247 = arith.constant 0 : i32
          %broadcast_in_dim3A_248 = vector.broadcast %jit3A_246 : i32 to vector<16xi32>
          %broadcast_in_dim3A_249 = vector.broadcast %jit3A_247 : i32 to vector<16xi32>
          %select_n3A_250 = arith.select %lt3A_245, %broadcast_in_dim3A_248, %broadcast_in_dim3A_249 : vector<16xi1>, vector<16xi32>
          %xor3A_251 = arith.xori %bitcast3A, %select_n3A_250 : vector<16xi32>
          %swap3A_252 = arith.index_cast %while3A_202 : i32 to index
          %swap3A_253 = tpu.vector_load %arg8[%swap3A_252] masked %and3A_221 {strides = array<i32>} : memref<4128xi32, #tpu.memory_space<vmem>>, vector<16xi32>, vector<16xi1>
          tpu.vector_store %arg8[%swap3A_252], %xor3A_251 masked %and3A_221 {strides = array<i32>} : memref<4128xi32, #tpu.memory_space<vmem>>, vector<16xi32>, vector<16xi1>
          %swap3A_254 = arith.index_cast %while3A_202 : i32 to index
          %swap3A_255 = tpu.vector_load %arg9[%swap3A_254] masked %and3A_221 {strides = array<i32>} : memref<4128xf32, #tpu.memory_space<vmem>>, vector<16xf32>, vector<16xi1>
          tpu.vector_store %arg9[%swap3A_254], %get3A_207 masked %and3A_221 {strides = array<i32>} : memref<4128xf32, #tpu.memory_space<vmem>>, vector<16xf32>, vector<16xi1>
          %swap3A_256 = arith.index_cast %while3A_202 : i32 to index
          %swap3A_257 = tpu.vector_load %arg10[%swap3A_256] masked %and3A_221 {strides = array<i32>} : memref<4128xi32, #tpu.memory_space<vmem>>, vector<16xi32>, vector<16xi1>
          tpu.vector_store %arg10[%swap3A_256], %add3A_212 masked %and3A_221 {strides = array<i32>} : memref<4128xi32, #tpu.memory_space<vmem>>, vector<16xi32>, vector<16xi1>
        } else {
        }
        %add3A_232 = arith.addi %while3A_202, %reduce_max3A_229 : i32
        %all_reduce_population_count3A_233 = tpu.all_reduce %and3A_217 {dim = 0 : i64, kind = #tpu.reduction_kind<sum>} : vector<16xi1> -> vector<16xi32>
        %reduce_max3A_234 = arith.constant true
        %reduce_max3A_235 = vector.broadcast %reduce_max3A_234 : i1 to vector<16xi1>
        %reduce_max3A_236 = arith.constant -2147483648 : i32
        %reduce_max3A_237 = vector.broadcast %reduce_max3A_236 : i32 to vector<16xi32>
        %reduce_max3A_238 = arith.xori %all_reduce_population_count3A_233, %reduce_max3A_237 : vector<16xi32>
        %reduce_max3A_239 = tpu.scan <max>, %reduce_max3A_238 masked %reduce_max3A_235 : vector<16xi32>, vector<16xi1> -> vector<16xi32>
        %reduce_max3A_240 = arith.xori %reduce_max3A_239, %reduce_max3A_237 : vector<16xi32>
        %reduce_max3A_241 = vector.extract %reduce_max3A_240[15] : i32 from vector<16xi32>
        %add3A_242 = arith.addi %while3A_203, %reduce_max3A_241 : i32
        scf.yield %add3A_232, %add3A_242 : i32, i32
      }
      %while3A_67 = arith.constant -1.000000e+09 : f32
      %while3A_68 = arith.constant 4.000000e+09 : f32
      %while3A_69 = arith.constant 0 : i32
      %while3A_70:6 = scf.while (%while3A_201 = %while3A_21, %while3A_202 = %while3A_67, %while3A_203 = %while3A_68, %while3A_204 = %while3A_66#0, %while3A_205 = %while3A_66#1, %while3A_206 = %while3A_69) : (f32, f32, f32, i32, i32, i32) -> (f32, f32, f32, i32, i32, i32) {
        %lt3A = arith.constant 40 : i32
        %lt3A_207 = arith.cmpi slt, %while3A_205, %lt3A : i32
        %gt3A = arith.constant 4096 : i32
        %gt3A_208 = arith.cmpi sgt, %while3A_205, %gt3A : i32
        %or3A = arith.ori %lt3A_207, %gt3A_208 : i1
        %lt3A_209 = arith.constant 48 : i32
        %lt3A_210 = arith.cmpi slt, %while3A_206, %lt3A_209 : i32
        %and3A = arith.andi %or3A, %lt3A_210 : i1
        scf.condition(%and3A) %while3A_201, %while3A_202, %while3A_203, %while3A_204, %while3A_205, %while3A_206 : f32, f32, f32, i32, i32, i32
      } do {
      ^bb0(%while3A_201: f32, %while3A_202: f32, %while3A_203: f32, %while3A_204: i32, %while3A_205: i32, %while3A_206: i32):
        %lt3A = arith.constant 40 : i32
        %lt3A_207 = arith.cmpi slt, %while3A_205, %lt3A : i32
        %select_n3A_208 = arith.select %lt3A_207, %while3A_201, %while3A_202 : f32
        %gt3A = arith.constant 4096 : i32
        %gt3A_209 = arith.cmpi sgt, %while3A_205, %gt3A : i32
        %select_n3A_210 = arith.select %gt3A_209, %while3A_201, %while3A_203 : f32
        %lt3A_211 = arith.constant 3.900000e+09 : f32
        %lt3A_212 = arith.cmpf olt, %select_n3A_210, %lt3A_211 : f32
        %gt3A_213 = arith.constant -9.000000e+08 : f32
        %gt3A_214 = arith.cmpf ogt, %select_n3A_208, %gt3A_213 : f32
        %add3A_215 = arith.addf %select_n3A_208, %select_n3A_210 : f32
        %mul3A_216 = arith.constant 5.000000e-01 : f32
        %mul3A_217 = arith.mulf %mul3A_216, %add3A_215 : f32
        %gt3A_218 = arith.constant 0.000000e+00 : f32
        %gt3A_219 = arith.cmpf ogt, %while3A_201, %gt3A_218 : f32
        %mul3A_220 = arith.constant 4.000000e+00 : f32
        %mul3A_221 = arith.mulf %while3A_201, %mul3A_220 : f32
        %add3A_222 = arith.constant 1.000000e+00 : f32
        %add3A_223 = arith.addf %mul3A_221, %add3A_222 : f32
        %mul3A_224 = arith.constant 2.500000e-01 : f32
        %mul3A_225 = arith.mulf %while3A_201, %mul3A_224 : f32
        %add3A_226 = arith.constant 1.000000e+00 : f32
        %add3A_227 = arith.addf %mul3A_225, %add3A_226 : f32
        %select_n3A_228 = arith.select %gt3A_219, %add3A_223, %add3A_227 : f32
        %select_n3A_229 = arith.select %lt3A_212, %mul3A_217, %select_n3A_228 : f32
        %gt3A_230 = arith.constant 0.000000e+00 : f32
        %gt3A_231 = arith.cmpf ogt, %while3A_201, %gt3A_230 : f32
        %mul3A_232 = arith.constant 2.500000e-01 : f32
        %mul3A_233 = arith.mulf %while3A_201, %mul3A_232 : f32
        %sub3A_234 = arith.constant 1.000000e+00 : f32
        %sub3A_235 = arith.subf %mul3A_233, %sub3A_234 : f32
        %mul3A_236 = arith.constant 4.000000e+00 : f32
        %mul3A_237 = arith.mulf %while3A_201, %mul3A_236 : f32
        %sub3A_238 = arith.constant 1.000000e+00 : f32
        %sub3A_239 = arith.subf %mul3A_237, %sub3A_238 : f32
        %select_n3A_240 = arith.select %gt3A_231, %sub3A_235, %sub3A_239 : f32
        %select_n3A_241 = arith.select %gt3A_214, %mul3A_217, %select_n3A_240 : f32
        %lt3A_242 = arith.constant 40 : i32
        %lt3A_243 = arith.cmpi slt, %while3A_205, %lt3A_242 : i32
        %select_n3A_244 = arith.select %lt3A_243, %select_n3A_229, %select_n3A_241 : f32
        %while3A_245 = arith.constant 0 : i32
        %while3A_246 = arith.constant 0 : i32
        %while3A_247 = arith.subi %div3A_54, %div3A_50 : i32
        %while3A_248 = arith.addi %div3A_50, %while3A_247 : i32
        %while3A_249 = arith.constant 1 : i32
        %while3A_250 = arith.divsi %while3A_247, %while3A_249 : i32
        %while3A_251 = arith.muli %while3A_250, %while3A_249 : i32
        %while3A_252 = arith.addi %div3A_50, %while3A_251 : i32
        %while3A_253 = arith.constant 1 : i32
        %while3A_254:2 = scf.for %while3A_259 = %div3A_50 to %while3A_252 step %while3A_253 iter_args(%while3A_260 = %while3A_245, %while3A_261 = %while3A_246) -> (i32, i32)  : i32 {
          %mul3A_262 = arith.constant 16 : i32
          %mul3A_263 = arith.muli %while3A_259, %mul3A_262 : i32
          %get3A_264 = arith.index_cast %mul3A_263 : i32 to index
          %get3A_265 = tpu.vector_load %arg7[%get3A_264] {strides = array<i32>} : memref<10000xf32, #tpu.memory_space<vmem>>, vector<16xf32>,
          %iota3A_266 = tpu.iota {dimensions = array<i32: 0>} : vector<16xi32>
          %mul3A_267 = arith.constant 16 : i32
          %mul3A_268 = arith.muli %while3A_259, %mul3A_267 : i32
          %add3A_269 = vector.broadcast %mul3A_268 : i32 to vector<16xi32>
          %add3A_270 = arith.addi %iota3A_266, %add3A_269 : vector<16xi32>
          %lt3A_271 = vector.broadcast %select_n3A_244 : f32 to vector<16xf32>
          %lt3A_272 = arith.cmpf olt, %get3A_265, %lt3A_271 : vector<16xf32>
          %ge3A = vector.broadcast %reduce_max3A_35 : i32 to vector<16xi32>
          %ge3A_273 = arith.cmpi sge, %add3A_270, %ge3A : vector<16xi32>
          %and3A = arith.andi %lt3A_272, %ge3A_273 : vector<16xi1>
          %lt3A_274 = vector.broadcast %reduce_max3A_48 : i32 to vector<16xi32>
          %lt3A_275 = arith.cmpi slt, %add3A_270, %lt3A_274 : vector<16xi32>
          %and3A_276 = arith.andi %and3A, %lt3A_275 : vector<16xi1>
          %lt3A_277 = arith.constant 4096 : i32
          %lt3A_278 = arith.cmpi slt, %while3A_260, %lt3A_277 : i32
          %and3A_279 = vector.broadcast %lt3A_278 : i1 to vector<16xi1>
          %and3A_280 = arith.andi %and3A_276, %and3A_279 : vector<16xi1>
          %all_reduce_population_count3A = tpu.all_reduce %and3A_280 {dim = 0 : i64, kind = #tpu.reduction_kind<sum>} : vector<16xi1> -> vector<16xi32>
          %reduce_max3A_281 = arith.constant true
          %reduce_max3A_282 = vector.broadcast %reduce_max3A_281 : i1 to vector<16xi1>
          %reduce_max3A_283 = arith.constant -2147483648 : i32
          %reduce_max3A_284 = vector.broadcast %reduce_max3A_283 : i32 to vector<16xi32>
          %reduce_max3A_285 = arith.xori %all_reduce_population_count3A, %reduce_max3A_284 : vector<16xi32>
          %reduce_max3A_286 = tpu.scan <max>, %reduce_max3A_285 masked %reduce_max3A_282 : vector<16xi32>, vector<16xi1> -> vector<16xi32>
          %reduce_max3A_287 = arith.xori %reduce_max3A_286, %reduce_max3A_284 : vector<16xi32>
          %reduce_max3A_288 = vector.extract %reduce_max3A_287[15] : i32 from vector<16xi32>
          %gt3A_289 = arith.constant 0 : i32
          %gt3A_290 = arith.cmpi sgt, %reduce_max3A_288, %gt3A_289 : i32
          %convert_element_type3A = arith.extui %gt3A_290 : i1 to i32
          %cond3A = arith.constant 0 : i32
          %cond3A_291 = arith.cmpi ne, %convert_element_type3A, %cond3A : i32
          scf.if %cond3A_291 {
            %bitcast3A = vector.bitcast %get3A_265 : vector<16xf32> to vector<16xi32>
            %lt3A_303 = arith.constant 0.000000e+00 : f32
            %lt3A_304 = vector.broadcast %lt3A_303 : f32 to vector<16xf32>
            %lt3A_305 = arith.cmpf olt, %get3A_265, %lt3A_304 : vector<16xf32>
            %jit3A_306 = arith.constant 2147483647 : i32
            %jit3A_307 = arith.constant 0 : i32
            %broadcast_in_dim3A_308 = vector.broadcast %jit3A_306 : i32 to vector<16xi32>
            %broadcast_in_dim3A_309 = vector.broadcast %jit3A_307 : i32 to vector<16xi32>
            %select_n3A_310 = arith.select %lt3A_305, %broadcast_in_dim3A_308, %broadcast_in_dim3A_309 : vector<16xi1>, vector<16xi32>
            %xor3A_311 = arith.xori %bitcast3A, %select_n3A_310 : vector<16xi32>
            %swap3A_312 = arith.index_cast %while3A_260 : i32 to index
            %swap3A_313 = tpu.vector_load %arg8[%swap3A_312] masked %and3A_280 {strides = array<i32>} : memref<4128xi32, #tpu.memory_space<vmem>>, vector<16xi32>, vector<16xi1>
            tpu.vector_store %arg8[%swap3A_312], %xor3A_311 masked %and3A_280 {strides = array<i32>} : memref<4128xi32, #tpu.memory_space<vmem>>, vector<16xi32>, vector<16xi1>
            %swap3A_314 = arith.index_cast %while3A_260 : i32 to index
            %swap3A_315 = tpu.vector_load %arg9[%swap3A_314] masked %and3A_280 {strides = array<i32>} : memref<4128xf32, #tpu.memory_space<vmem>>, vector<16xf32>, vector<16xi1>
            tpu.vector_store %arg9[%swap3A_314], %get3A_265 masked %and3A_280 {strides = array<i32>} : memref<4128xf32, #tpu.memory_space<vmem>>, vector<16xf32>, vector<16xi1>
            %swap3A_316 = arith.index_cast %while3A_260 : i32 to index
            %swap3A_317 = tpu.vector_load %arg10[%swap3A_316] masked %and3A_280 {strides = array<i32>} : memref<4128xi32, #tpu.memory_space<vmem>>, vector<16xi32>, vector<16xi1>
            tpu.vector_store %arg10[%swap3A_316], %add3A_270 masked %and3A_280 {strides = array<i32>} : memref<4128xi32, #tpu.memory_space<vmem>>, vector<16xi32>, vector<16xi1>
          } else {
          }
          %add3A_292 = arith.addi %while3A_260, %reduce_max3A_288 : i32
          %all_reduce_population_count3A_293 = tpu.all_reduce %and3A_276 {dim = 0 : i64, kind = #tpu.reduction_kind<sum>} : vector<16xi1> -> vector<16xi32>
          %reduce_max3A_294 = arith.constant true
          %reduce_max3A_295 = vector.broadcast %reduce_max3A_294 : i1 to vector<16xi1>
          %reduce_max3A_296 = arith.constant -2147483648 : i32
          %reduce_max3A_297 = vector.broadcast %reduce_max3A_296 : i32 to vector<16xi32>
          %reduce_max3A_298 = arith.xori %all_reduce_population_count3A_293, %reduce_max3A_297 : vector<16xi32>
          %reduce_max3A_299 = tpu.scan <max>, %reduce_max3A_298 masked %reduce_max3A_295 : vector<16xi32>, vector<16xi1> -> vector<16xi32>
          %reduce_max3A_300 = arith.xori %reduce_max3A_299, %reduce_max3A_297 : vector<16xi32>
          %reduce_max3A_301 = vector.extract %reduce_max3A_300[15] : i32 from vector<16xi32>
          %add3A_302 = arith.addi %while3A_261, %reduce_max3A_301 : i32
          scf.yield %add3A_292, %add3A_302 : i32, i32
        }
        %while3A_255 = arith.constant 1 : i32
        %while3A_256:2 = scf.for %while3A_259 = %while3A_252 to %while3A_248 step %while3A_255 iter_args(%while3A_260 = %while3A_254#0, %while3A_261 = %while3A_254#1) -> (i32, i32)  : i32 {
          %mul3A_262 = arith.constant 16 : i32
          %mul3A_263 = arith.muli %while3A_259, %mul3A_262 : i32
          %get3A_264 = arith.index_cast %mul3A_263 : i32 to index
          %get3A_265 = tpu.vector_load %arg7[%get3A_264] {strides = array<i32>} : memref<10000xf32, #tpu.memory_space<vmem>>, vector<16xf32>,
          %iota3A_266 = tpu.iota {dimensions = array<i32: 0>} : vector<16xi32>
          %mul3A_267 = arith.constant 16 : i32
          %mul3A_268 = arith.muli %while3A_259, %mul3A_267 : i32
          %add3A_269 = vector.broadcast %mul3A_268 : i32 to vector<16xi32>
          %add3A_270 = arith.addi %iota3A_266, %add3A_269 : vector<16xi32>
          %lt3A_271 = vector.broadcast %select_n3A_244 : f32 to vector<16xf32>
          %lt3A_272 = arith.cmpf olt, %get3A_265, %lt3A_271 : vector<16xf32>
          %ge3A = vector.broadcast %reduce_max3A_35 : i32 to vector<16xi32>
          %ge3A_273 = arith.cmpi sge, %add3A_270, %ge3A : vector<16xi32>
          %and3A = arith.andi %lt3A_272, %ge3A_273 : vector<16xi1>
          %lt3A_274 = vector.broadcast %reduce_max3A_48 : i32 to vector<16xi32>
          %lt3A_275 = arith.cmpi slt, %add3A_270, %lt3A_274 : vector<16xi32>
          %and3A_276 = arith.andi %and3A, %lt3A_275 : vector<16xi1>
          %lt3A_277 = arith.constant 4096 : i32
          %lt3A_278 = arith.cmpi slt, %while3A_260, %lt3A_277 : i32
          %and3A_279 = vector.broadcast %lt3A_278 : i1 to vector<16xi1>
          %and3A_280 = arith.andi %and3A_276, %and3A_279 : vector<16xi1>
          %all_reduce_population_count3A = tpu.all_reduce %and3A_280 {dim = 0 : i64, kind = #tpu.reduction_kind<sum>} : vector<16xi1> -> vector<16xi32>
          %reduce_max3A_281 = arith.constant true
          %reduce_max3A_282 = vector.broadcast %reduce_max3A_281 : i1 to vector<16xi1>
          %reduce_max3A_283 = arith.constant -2147483648 : i32
          %reduce_max3A_284 = vector.broadcast %reduce_max3A_283 : i32 to vector<16xi32>
          %reduce_max3A_285 = arith.xori %all_reduce_population_count3A, %reduce_max3A_284 : vector<16xi32>
          %reduce_max3A_286 = tpu.scan <max>, %reduce_max3A_285 masked %reduce_max3A_282 : vector<16xi32>, vector<16xi1> -> vector<16xi32>
          %reduce_max3A_287 = arith.xori %reduce_max3A_286, %reduce_max3A_284 : vector<16xi32>
          %reduce_max3A_288 = vector.extract %reduce_max3A_287[15] : i32 from vector<16xi32>
          %gt3A_289 = arith.constant 0 : i32
          %gt3A_290 = arith.cmpi sgt, %reduce_max3A_288, %gt3A_289 : i32
          %convert_element_type3A = arith.extui %gt3A_290 : i1 to i32
          %cond3A = arith.constant 0 : i32
          %cond3A_291 = arith.cmpi ne, %convert_element_type3A, %cond3A : i32
          scf.if %cond3A_291 {
            %bitcast3A = vector.bitcast %get3A_265 : vector<16xf32> to vector<16xi32>
            %lt3A_303 = arith.constant 0.000000e+00 : f32
            %lt3A_304 = vector.broadcast %lt3A_303 : f32 to vector<16xf32>
            %lt3A_305 = arith.cmpf olt, %get3A_265, %lt3A_304 : vector<16xf32>
            %jit3A_306 = arith.constant 2147483647 : i32
            %jit3A_307 = arith.constant 0 : i32
            %broadcast_in_dim3A_308 = vector.broadcast %jit3A_306 : i32 to vector<16xi32>
            %broadcast_in_dim3A_309 = vector.broadcast %jit3A_307 : i32 to vector<16xi32>
            %select_n3A_310 = arith.select %lt3A_305, %broadcast_in_dim3A_308, %broadcast_in_dim3A_309 : vector<16xi1>, vector<16xi32>
            %xor3A_311 = arith.xori %bitcast3A, %select_n3A_310 : vector<16xi32>
            %swap3A_312 = arith.index_cast %while3A_260 : i32 to index
            %swap3A_313 = tpu.vector_load %arg8[%swap3A_312] masked %and3A_280 {strides = array<i32>} : memref<4128xi32, #tpu.memory_space<vmem>>, vector<16xi32>, vector<16xi1>
            tpu.vector_store %arg8[%swap3A_312], %xor3A_311 masked %and3A_280 {strides = array<i32>} : memref<4128xi32, #tpu.memory_space<vmem>>, vector<16xi32>, vector<16xi1>
            %swap3A_314 = arith.index_cast %while3A_260 : i32 to index
            %swap3A_315 = tpu.vector_load %arg9[%swap3A_314] masked %and3A_280 {strides = array<i32>} : memref<4128xf32, #tpu.memory_space<vmem>>, vector<16xf32>, vector<16xi1>
            tpu.vector_store %arg9[%swap3A_314], %get3A_265 masked %and3A_280 {strides = array<i32>} : memref<4128xf32, #tpu.memory_space<vmem>>, vector<16xf32>, vector<16xi1>
            %swap3A_316 = arith.index_cast %while3A_260 : i32 to index
            %swap3A_317 = tpu.vector_load %arg10[%swap3A_316] masked %and3A_280 {strides = array<i32>} : memref<4128xi32, #tpu.memory_space<vmem>>, vector<16xi32>, vector<16xi1>
            tpu.vector_store %arg10[%swap3A_316], %add3A_270 masked %and3A_280 {strides = array<i32>} : memref<4128xi32, #tpu.memory_space<vmem>>, vector<16xi32>, vector<16xi1>
          } else {
          }
          %add3A_292 = arith.addi %while3A_260, %reduce_max3A_288 : i32
          %all_reduce_population_count3A_293 = tpu.all_reduce %and3A_276 {dim = 0 : i64, kind = #tpu.reduction_kind<sum>} : vector<16xi1> -> vector<16xi32>
          %reduce_max3A_294 = arith.constant true
          %reduce_max3A_295 = vector.broadcast %reduce_max3A_294 : i1 to vector<16xi1>
          %reduce_max3A_296 = arith.constant -2147483648 : i32
          %reduce_max3A_297 = vector.broadcast %reduce_max3A_296 : i32 to vector<16xi32>
          %reduce_max3A_298 = arith.xori %all_reduce_population_count3A_293, %reduce_max3A_297 : vector<16xi32>
          %reduce_max3A_299 = tpu.scan <max>, %reduce_max3A_298 masked %reduce_max3A_295 : vector<16xi32>, vector<16xi1> -> vector<16xi32>
          %reduce_max3A_300 = arith.xori %reduce_max3A_299, %reduce_max3A_297 : vector<16xi32>
          %reduce_max3A_301 = vector.extract %reduce_max3A_300[15] : i32 from vector<16xi32>
          %add3A_302 = arith.addi %while3A_261, %reduce_max3A_301 : i32
          scf.yield %add3A_292, %add3A_302 : i32, i32
        }
        %add3A_257 = arith.constant 1 : i32
        %add3A_258 = arith.addi %while3A_206, %add3A_257 : i32
        scf.yield %select_n3A_244, %select_n3A_208, %select_n3A_210, %while3A_256#0, %while3A_256#1, %add3A_258 : f32, f32, f32, i32, i32, i32
      }
      %broadcast_in_dim3A_71 = arith.constant 2147483647 : i32
      %broadcast_in_dim3A_72 = vector.broadcast %broadcast_in_dim3A_71 : i32 to vector<16xi32>
      %swap3A = arith.index_cast %while3A_70#3 : i32 to index
      %swap3A_73 = tpu.vector_load %arg8[%swap3A] {strides = array<i32>} : memref<4128xi32, #tpu.memory_space<vmem>>, vector<16xi32>,
      tpu.vector_store %arg8[%swap3A], %broadcast_in_dim3A_72 {strides = array<i32>} : memref<4128xi32, #tpu.memory_space<vmem>>, vector<16xi32>,
      %add3A_74 = arith.constant 15 : i32
      %add3A_75 = arith.addi %while3A_70#3, %add3A_74 : i32
      %div3A_76 = arith.constant 16 : i32
      %div3A_77 = arith.divsi %add3A_75, %div3A_76 : i32
      %scan3A = arith.constant -2147483648 : i32
      %scan3A_78 = arith.constant 0 : i32
      %scan3A_79 = arith.constant 0 : i32
      %scan3A_80 = arith.constant 32 : i32
      %scan3A_81 = arith.addi %scan3A_79, %scan3A_80 : i32
      %scan3A_82 = arith.constant 1 : i32
      %scan3A_83 = scf.for %scan3A_201 = %scan3A_79 to %scan3A_81 step %scan3A_82 iter_args(%scan3A_202 = %scan3A_78) -> (i32)  : i32 {
        %sub3A_203 = arith.constant 31 : i32
        %sub3A_204 = arith.subi %sub3A_203, %scan3A_201 : i32
        %shift_left3A = arith.constant 1 : i32
        %shift_left3A_205 = arith.shli %shift_left3A, %sub3A_204 : i32
        %or3A = arith.ori %scan3A_202, %shift_left3A_205 : i32
        %xor3A_206 = arith.xori %or3A, %scan3A : i32
        %broadcast_in_dim3A_207 = arith.constant 0 : i32
        %broadcast_in_dim3A_208 = vector.broadcast %broadcast_in_dim3A_207 : i32 to vector<16xi32>
        %while3A_209 = arith.constant 0 : i32
        %while3A_210 = arith.subi %div3A_77, %while3A_209 : i32
        %while3A_211 = arith.addi %while3A_209, %while3A_210 : i32
        %while3A_212 = arith.constant 1 : i32
        %while3A_213 = arith.divsi %while3A_210, %while3A_212 : i32
        %while3A_214 = arith.muli %while3A_213, %while3A_212 : i32
        %while3A_215 = arith.addi %while3A_209, %while3A_214 : i32
        %while3A_216 = arith.constant 1 : i32
        %while3A_217 = scf.for %while3A_231 = %while3A_209 to %while3A_215 step %while3A_216 iter_args(%while3A_232 = %broadcast_in_dim3A_208) -> (vector<16xi32>)  : i32 {
          %mul3A_233 = arith.constant 16 : i32
          %mul3A_234 = arith.muli %while3A_231, %mul3A_233 : i32
          %get3A_235 = arith.index_cast %mul3A_234 : i32 to index
          %get3A_236 = tpu.vector_load %arg8[%get3A_235] {strides = array<i32>} : memref<4128xi32, #tpu.memory_space<vmem>>, vector<16xi32>,
          %lt3A = vector.broadcast %xor3A_206 : i32 to vector<16xi32>
          %lt3A_237 = arith.cmpi slt, %get3A_236, %lt3A : vector<16xi32>
          %all_reduce_population_count3A = tpu.all_reduce %lt3A_237 {dim = 0 : i64, kind = #tpu.reduction_kind<sum>} : vector<16xi1> -> vector<16xi32>
          %add3A_238 = arith.addi %while3A_232, %all_reduce_population_count3A : vector<16xi32>
          scf.yield %add3A_238 : vector<16xi32>
        }
        %while3A_218 = arith.constant 1 : i32
        %while3A_219 = scf.for %while3A_231 = %while3A_215 to %while3A_211 step %while3A_218 iter_args(%while3A_232 = %while3A_217) -> (vector<16xi32>)  : i32 {
          %mul3A_233 = arith.constant 16 : i32
          %mul3A_234 = arith.muli %while3A_231, %mul3A_233 : i32
          %get3A_235 = arith.index_cast %mul3A_234 : i32 to index
          %get3A_236 = tpu.vector_load %arg8[%get3A_235] {strides = array<i32>} : memref<4128xi32, #tpu.memory_space<vmem>>, vector<16xi32>,
          %lt3A = vector.broadcast %xor3A_206 : i32 to vector<16xi32>
          %lt3A_237 = arith.cmpi slt, %get3A_236, %lt3A : vector<16xi32>
          %all_reduce_population_count3A = tpu.all_reduce %lt3A_237 {dim = 0 : i64, kind = #tpu.reduction_kind<sum>} : vector<16xi1> -> vector<16xi32>
          %add3A_238 = arith.addi %while3A_232, %all_reduce_population_count3A : vector<16xi32>
          scf.yield %add3A_238 : vector<16xi32>
        }
        %reduce_max3A_220 = arith.constant true
        %reduce_max3A_221 = vector.broadcast %reduce_max3A_220 : i1 to vector<16xi1>
        %reduce_max3A_222 = arith.constant -2147483648 : i32
        %reduce_max3A_223 = vector.broadcast %reduce_max3A_222 : i32 to vector<16xi32>
        %reduce_max3A_224 = arith.xori %while3A_219, %reduce_max3A_223 : vector<16xi32>
        %reduce_max3A_225 = tpu.scan <max>, %reduce_max3A_224 masked %reduce_max3A_221 : vector<16xi32>, vector<16xi1> -> vector<16xi32>
        %reduce_max3A_226 = arith.xori %reduce_max3A_225, %reduce_max3A_223 : vector<16xi32>
        %reduce_max3A_227 = vector.extract %reduce_max3A_226[15] : i32 from vector<16xi32>
        %le3A = arith.constant 39 : i32
        %le3A_228 = arith.cmpi sle, %reduce_max3A_227, %le3A : i32
        %or3A_229 = arith.ori %scan3A_202, %shift_left3A_205 : i32
        %select_n3A_230 = arith.select %le3A_228, %or3A_229, %scan3A_202 : i32
        scf.yield %select_n3A_230 : i32
      }
      %scan3A_84 = arith.constant 32 : i32
      %xor3A = arith.constant -2147483648 : i32
      %xor3A_85 = arith.xori %scan3A_83, %xor3A : i32
      %broadcast_in_dim3A_86 = arith.constant 0 : i32
      %broadcast_in_dim3A_87 = vector.broadcast %broadcast_in_dim3A_86 : i32 to vector<16xi32>
      %while3A_88 = arith.constant 0 : i32
      %while3A_89 = arith.subi %div3A_77, %while3A_88 : i32
      %while3A_90 = arith.addi %while3A_88, %while3A_89 : i32
      %while3A_91 = arith.constant 1 : i32
      %while3A_92 = arith.divsi %while3A_89, %while3A_91 : i32
      %while3A_93 = arith.muli %while3A_92, %while3A_91 : i32
      %while3A_94 = arith.addi %while3A_88, %while3A_93 : i32
      %while3A_95 = arith.constant 1 : i32
      %while3A_96 = scf.for %while3A_201 = %while3A_88 to %while3A_94 step %while3A_95 iter_args(%while3A_202 = %broadcast_in_dim3A_87) -> (vector<16xi32>)  : i32 {
        %mul3A_203 = arith.constant 16 : i32
        %mul3A_204 = arith.muli %while3A_201, %mul3A_203 : i32
        %get3A_205 = arith.index_cast %mul3A_204 : i32 to index
        %get3A_206 = tpu.vector_load %arg8[%get3A_205] {strides = array<i32>} : memref<4128xi32, #tpu.memory_space<vmem>>, vector<16xi32>,
        %lt3A = vector.broadcast %xor3A_85 : i32 to vector<16xi32>
        %lt3A_207 = arith.cmpi slt, %get3A_206, %lt3A : vector<16xi32>
        %all_reduce_population_count3A = tpu.all_reduce %lt3A_207 {dim = 0 : i64, kind = #tpu.reduction_kind<sum>} : vector<16xi1> -> vector<16xi32>
        %add3A_208 = arith.addi %while3A_202, %all_reduce_population_count3A : vector<16xi32>
        scf.yield %add3A_208 : vector<16xi32>
      }
      %while3A_97 = arith.constant 1 : i32
      %while3A_98 = scf.for %while3A_201 = %while3A_94 to %while3A_90 step %while3A_97 iter_args(%while3A_202 = %while3A_96) -> (vector<16xi32>)  : i32 {
        %mul3A_203 = arith.constant 16 : i32
        %mul3A_204 = arith.muli %while3A_201, %mul3A_203 : i32
        %get3A_205 = arith.index_cast %mul3A_204 : i32 to index
        %get3A_206 = tpu.vector_load %arg8[%get3A_205] {strides = array<i32>} : memref<4128xi32, #tpu.memory_space<vmem>>, vector<16xi32>,
        %lt3A = vector.broadcast %xor3A_85 : i32 to vector<16xi32>
        %lt3A_207 = arith.cmpi slt, %get3A_206, %lt3A : vector<16xi32>
        %all_reduce_population_count3A = tpu.all_reduce %lt3A_207 {dim = 0 : i64, kind = #tpu.reduction_kind<sum>} : vector<16xi1> -> vector<16xi32>
        %add3A_208 = arith.addi %while3A_202, %all_reduce_population_count3A : vector<16xi32>
        scf.yield %add3A_208 : vector<16xi32>
      }
      %reduce_max3A_99 = arith.constant true
      %reduce_max3A_100 = vector.broadcast %reduce_max3A_99 : i1 to vector<16xi1>
      %reduce_max3A_101 = arith.constant -2147483648 : i32
      %reduce_max3A_102 = vector.broadcast %reduce_max3A_101 : i32 to vector<16xi32>
      %reduce_max3A_103 = arith.xori %while3A_98, %reduce_max3A_102 : vector<16xi32>
      %reduce_max3A_104 = tpu.scan <max>, %reduce_max3A_103 masked %reduce_max3A_100 : vector<16xi32>, vector<16xi1> -> vector<16xi32>
      %reduce_max3A_105 = arith.xori %reduce_max3A_104, %reduce_max3A_102 : vector<16xi32>
      %reduce_max3A_106 = vector.extract %reduce_max3A_105[15] : i32 from vector<16xi32>
      %sub3A_107 = arith.constant 40 : i32
      %sub3A_108 = arith.subi %sub3A_107, %reduce_max3A_106 : i32
      %while3A_109 = arith.constant 0 : i32
      %while3A_110 = arith.constant 0 : i32
      %while3A_111 = arith.subi %div3A_77, %while3A_109 : i32
      %while3A_112 = arith.addi %while3A_109, %while3A_111 : i32
      %while3A_113 = arith.constant 1 : i32
      %while3A_114 = arith.divsi %while3A_111, %while3A_113 : i32
      %while3A_115 = arith.muli %while3A_114, %while3A_113 : i32
      %while3A_116 = arith.addi %while3A_109, %while3A_115 : i32
      %while3A_117 = arith.constant 1 : i32
      %while3A_118:2 = scf.for %while3A_201 = %while3A_109 to %while3A_116 step %while3A_117 iter_args(%while3A_202 = %while3A_110, %while3A_203 = %sub3A_108) -> (i32, i32)  : i32 {
        %mul3A_204 = arith.constant 16 : i32
        %mul3A_205 = arith.muli %while3A_201, %mul3A_204 : i32
        %get3A_206 = arith.index_cast %mul3A_205 : i32 to index
        %get3A_207 = tpu.vector_load %arg8[%get3A_206] {strides = array<i32>} : memref<4128xi32, #tpu.memory_space<vmem>>, vector<16xi32>,
        %mul3A_208 = arith.constant 16 : i32
        %mul3A_209 = arith.muli %while3A_201, %mul3A_208 : i32
        %get3A_210 = arith.index_cast %mul3A_209 : i32 to index
        %get3A_211 = tpu.vector_load %arg9[%get3A_210] {strides = array<i32>} : memref<4128xf32, #tpu.memory_space<vmem>>, vector<16xf32>,
        %mul3A_212 = arith.constant 16 : i32
        %mul3A_213 = arith.muli %while3A_201, %mul3A_212 : i32
        %get3A_214 = arith.index_cast %mul3A_213 : i32 to index
        %get3A_215 = tpu.vector_load %arg10[%get3A_214] {strides = array<i32>} : memref<4128xi32, #tpu.memory_space<vmem>>, vector<16xi32>,
        %lt3A = vector.broadcast %xor3A_85 : i32 to vector<16xi32>
        %lt3A_216 = arith.cmpi slt, %get3A_207, %lt3A : vector<16xi32>
        %swap3A_217 = arith.index_cast %while3A_202 : i32 to index
        %swap3A_218 = tpu.vector_load %arg11[%swap3A_217] masked %lt3A_216 {strides = array<i32>} : memref<64xf32, #tpu.memory_space<vmem>>, vector<16xf32>, vector<16xi1>
        tpu.vector_store %arg11[%swap3A_217], %get3A_211 masked %lt3A_216 {strides = array<i32>} : memref<64xf32, #tpu.memory_space<vmem>>, vector<16xf32>, vector<16xi1>
        %swap3A_219 = arith.index_cast %while3A_202 : i32 to index
        %swap3A_220 = tpu.vector_load %arg12[%swap3A_219] masked %lt3A_216 {strides = array<i32>} : memref<64xi32, #tpu.memory_space<vmem>>, vector<16xi32>, vector<16xi1>
        tpu.vector_store %arg12[%swap3A_219], %get3A_215 masked %lt3A_216 {strides = array<i32>} : memref<64xi32, #tpu.memory_space<vmem>>, vector<16xi32>, vector<16xi1>
        %all_reduce_population_count3A = tpu.all_reduce %lt3A_216 {dim = 0 : i64, kind = #tpu.reduction_kind<sum>} : vector<16xi1> -> vector<16xi32>
        %reduce_max3A_221 = arith.constant true
        %reduce_max3A_222 = vector.broadcast %reduce_max3A_221 : i1 to vector<16xi1>
        %reduce_max3A_223 = arith.constant -2147483648 : i32
        %reduce_max3A_224 = vector.broadcast %reduce_max3A_223 : i32 to vector<16xi32>
        %reduce_max3A_225 = arith.xori %all_reduce_population_count3A, %reduce_max3A_224 : vector<16xi32>
        %reduce_max3A_226 = tpu.scan <max>, %reduce_max3A_225 masked %reduce_max3A_222 : vector<16xi32>, vector<16xi1> -> vector<16xi32>
        %reduce_max3A_227 = arith.xori %reduce_max3A_226, %reduce_max3A_224 : vector<16xi32>
        %reduce_max3A_228 = vector.extract %reduce_max3A_227[15] : i32 from vector<16xi32>
        %add3A_229 = arith.addi %while3A_202, %reduce_max3A_228 : i32
        %eq3A_230 = vector.broadcast %xor3A_85 : i32 to vector<16xi32>
        %eq3A_231 = arith.cmpi eq, %get3A_207, %eq3A_230 : vector<16xi32>
        %all_reduce_population_count3A_232 = tpu.all_reduce %eq3A_231 {dim = 0 : i64, kind = #tpu.reduction_kind<sum>} : vector<16xi1> -> vector<16xi32>
        %reduce_max3A_233 = arith.constant true
        %reduce_max3A_234 = vector.broadcast %reduce_max3A_233 : i1 to vector<16xi1>
        %reduce_max3A_235 = arith.constant -2147483648 : i32
        %reduce_max3A_236 = vector.broadcast %reduce_max3A_235 : i32 to vector<16xi32>
        %reduce_max3A_237 = arith.xori %all_reduce_population_count3A_232, %reduce_max3A_236 : vector<16xi32>
        %reduce_max3A_238 = tpu.scan <max>, %reduce_max3A_237 masked %reduce_max3A_234 : vector<16xi32>, vector<16xi1> -> vector<16xi32>
        %reduce_max3A_239 = arith.xori %reduce_max3A_238, %reduce_max3A_236 : vector<16xi32>
        %reduce_max3A_240 = vector.extract %reduce_max3A_239[15] : i32 from vector<16xi32>
        %min3A_241 = arith.minsi %while3A_203, %reduce_max3A_240 : i32
        %gt3A = arith.constant 0 : i32
        %gt3A_242 = arith.cmpi sgt, %min3A_241, %gt3A : i32
        %convert_element_type3A = arith.extui %gt3A_242 : i1 to i32
        %cond3A = arith.constant 0 : i32
        %cond3A_243 = arith.cmpi ne, %convert_element_type3A, %cond3A : i32
        scf.if %cond3A_243 {
          %swap3A_246 = arith.constant 0 : index
          %swap3A_247 = tpu.vector_load %arg13[%swap3A_246] masked %eq3A_231 {strides = array<i32>} : memref<32xf32, #tpu.memory_space<vmem>>, vector<16xf32>, vector<16xi1>
          tpu.vector_store %arg13[%swap3A_246], %get3A_211 masked %eq3A_231 {strides = array<i32>} : memref<32xf32, #tpu.memory_space<vmem>>, vector<16xf32>, vector<16xi1>
          %swap3A_248 = arith.constant 0 : index
          %swap3A_249 = tpu.vector_load %arg14[%swap3A_248] masked %eq3A_231 {strides = array<i32>} : memref<32xi32, #tpu.memory_space<vmem>>, vector<16xi32>, vector<16xi1>
          tpu.vector_store %arg14[%swap3A_248], %get3A_215 masked %eq3A_231 {strides = array<i32>} : memref<32xi32, #tpu.memory_space<vmem>>, vector<16xi32>, vector<16xi1>
          %iota3A_250 = tpu.iota {dimensions = array<i32: 0>} : vector<16xi32>
          %lt3A_251 = vector.broadcast %min3A_241 : i32 to vector<16xi32>
          %lt3A_252 = arith.cmpi slt, %iota3A_250, %lt3A_251 : vector<16xi32>
          %get3A_253 = arith.constant 0 : index
          %get3A_254 = tpu.vector_load %arg13[%get3A_253] {strides = array<i32>} : memref<32xf32, #tpu.memory_space<vmem>>, vector<16xf32>,
          %swap3A_255 = arith.index_cast %add3A_229 : i32 to index
          %swap3A_256 = tpu.vector_load %arg11[%swap3A_255] masked %lt3A_252 {strides = array<i32>} : memref<64xf32, #tpu.memory_space<vmem>>, vector<16xf32>, vector<16xi1>
          tpu.vector_store %arg11[%swap3A_255], %get3A_254 masked %lt3A_252 {strides = array<i32>} : memref<64xf32, #tpu.memory_space<vmem>>, vector<16xf32>, vector<16xi1>
          %get3A_257 = arith.constant 0 : index
          %get3A_258 = tpu.vector_load %arg14[%get3A_257] {strides = array<i32>} : memref<32xi32, #tpu.memory_space<vmem>>, vector<16xi32>,
          %swap3A_259 = arith.index_cast %add3A_229 : i32 to index
          %swap3A_260 = tpu.vector_load %arg12[%swap3A_259] masked %lt3A_252 {strides = array<i32>} : memref<64xi32, #tpu.memory_space<vmem>>, vector<16xi32>, vector<16xi1>
          tpu.vector_store %arg12[%swap3A_259], %get3A_258 masked %lt3A_252 {strides = array<i32>} : memref<64xi32, #tpu.memory_space<vmem>>, vector<16xi32>, vector<16xi1>
        } else {
        }
        %add3A_244 = arith.addi %add3A_229, %min3A_241 : i32
        %sub3A_245 = arith.subi %while3A_203, %min3A_241 : i32
        scf.yield %add3A_244, %sub3A_245 : i32, i32
      }
      %while3A_119 = arith.constant 1 : i32
      %while3A_120:2 = scf.for %while3A_201 = %while3A_116 to %while3A_112 step %while3A_119 iter_args(%while3A_202 = %while3A_118#0, %while3A_203 = %while3A_118#1) -> (i32, i32)  : i32 {
        %mul3A_204 = arith.constant 16 : i32
        %mul3A_205 = arith.muli %while3A_201, %mul3A_204 : i32
        %get3A_206 = arith.index_cast %mul3A_205 : i32 to index
        %get3A_207 = tpu.vector_load %arg8[%get3A_206] {strides = array<i32>} : memref<4128xi32, #tpu.memory_space<vmem>>, vector<16xi32>,
        %mul3A_208 = arith.constant 16 : i32
        %mul3A_209 = arith.muli %while3A_201, %mul3A_208 : i32
        %get3A_210 = arith.index_cast %mul3A_209 : i32 to index
        %get3A_211 = tpu.vector_load %arg9[%get3A_210] {strides = array<i32>} : memref<4128xf32, #tpu.memory_space<vmem>>, vector<16xf32>,
        %mul3A_212 = arith.constant 16 : i32
        %mul3A_213 = arith.muli %while3A_201, %mul3A_212 : i32
        %get3A_214 = arith.index_cast %mul3A_213 : i32 to index
        %get3A_215 = tpu.vector_load %arg10[%get3A_214] {strides = array<i32>} : memref<4128xi32, #tpu.memory_space<vmem>>, vector<16xi32>,
        %lt3A = vector.broadcast %xor3A_85 : i32 to vector<16xi32>
        %lt3A_216 = arith.cmpi slt, %get3A_207, %lt3A : vector<16xi32>
        %swap3A_217 = arith.index_cast %while3A_202 : i32 to index
        %swap3A_218 = tpu.vector_load %arg11[%swap3A_217] masked %lt3A_216 {strides = array<i32>} : memref<64xf32, #tpu.memory_space<vmem>>, vector<16xf32>, vector<16xi1>
        tpu.vector_store %arg11[%swap3A_217], %get3A_211 masked %lt3A_216 {strides = array<i32>} : memref<64xf32, #tpu.memory_space<vmem>>, vector<16xf32>, vector<16xi1>
        %swap3A_219 = arith.index_cast %while3A_202 : i32 to index
        %swap3A_220 = tpu.vector_load %arg12[%swap3A_219] masked %lt3A_216 {strides = array<i32>} : memref<64xi32, #tpu.memory_space<vmem>>, vector<16xi32>, vector<16xi1>
        tpu.vector_store %arg12[%swap3A_219], %get3A_215 masked %lt3A_216 {strides = array<i32>} : memref<64xi32, #tpu.memory_space<vmem>>, vector<16xi32>, vector<16xi1>
        %all_reduce_population_count3A = tpu.all_reduce %lt3A_216 {dim = 0 : i64, kind = #tpu.reduction_kind<sum>} : vector<16xi1> -> vector<16xi32>
        %reduce_max3A_221 = arith.constant true
        %reduce_max3A_222 = vector.broadcast %reduce_max3A_221 : i1 to vector<16xi1>
        %reduce_max3A_223 = arith.constant -2147483648 : i32
        %reduce_max3A_224 = vector.broadcast %reduce_max3A_223 : i32 to vector<16xi32>
        %reduce_max3A_225 = arith.xori %all_reduce_population_count3A, %reduce_max3A_224 : vector<16xi32>
        %reduce_max3A_226 = tpu.scan <max>, %reduce_max3A_225 masked %reduce_max3A_222 : vector<16xi32>, vector<16xi1> -> vector<16xi32>
        %reduce_max3A_227 = arith.xori %reduce_max3A_226, %reduce_max3A_224 : vector<16xi32>
        %reduce_max3A_228 = vector.extract %reduce_max3A_227[15] : i32 from vector<16xi32>
        %add3A_229 = arith.addi %while3A_202, %reduce_max3A_228 : i32
        %eq3A_230 = vector.broadcast %xor3A_85 : i32 to vector<16xi32>
        %eq3A_231 = arith.cmpi eq, %get3A_207, %eq3A_230 : vector<16xi32>
        %all_reduce_population_count3A_232 = tpu.all_reduce %eq3A_231 {dim = 0 : i64, kind = #tpu.reduction_kind<sum>} : vector<16xi1> -> vector<16xi32>
        %reduce_max3A_233 = arith.constant true
        %reduce_max3A_234 = vector.broadcast %reduce_max3A_233 : i1 to vector<16xi1>
        %reduce_max3A_235 = arith.constant -2147483648 : i32
        %reduce_max3A_236 = vector.broadcast %reduce_max3A_235 : i32 to vector<16xi32>
        %reduce_max3A_237 = arith.xori %all_reduce_population_count3A_232, %reduce_max3A_236 : vector<16xi32>
        %reduce_max3A_238 = tpu.scan <max>, %reduce_max3A_237 masked %reduce_max3A_234 : vector<16xi32>, vector<16xi1> -> vector<16xi32>
        %reduce_max3A_239 = arith.xori %reduce_max3A_238, %reduce_max3A_236 : vector<16xi32>
        %reduce_max3A_240 = vector.extract %reduce_max3A_239[15] : i32 from vector<16xi32>
        %min3A_241 = arith.minsi %while3A_203, %reduce_max3A_240 : i32
        %gt3A = arith.constant 0 : i32
        %gt3A_242 = arith.cmpi sgt, %min3A_241, %gt3A : i32
        %convert_element_type3A = arith.extui %gt3A_242 : i1 to i32
        %cond3A = arith.constant 0 : i32
        %cond3A_243 = arith.cmpi ne, %convert_element_type3A, %cond3A : i32
        scf.if %cond3A_243 {
          %swap3A_246 = arith.constant 0 : index
          %swap3A_247 = tpu.vector_load %arg13[%swap3A_246] masked %eq3A_231 {strides = array<i32>} : memref<32xf32, #tpu.memory_space<vmem>>, vector<16xf32>, vector<16xi1>
          tpu.vector_store %arg13[%swap3A_246], %get3A_211 masked %eq3A_231 {strides = array<i32>} : memref<32xf32, #tpu.memory_space<vmem>>, vector<16xf32>, vector<16xi1>
          %swap3A_248 = arith.constant 0 : index
          %swap3A_249 = tpu.vector_load %arg14[%swap3A_248] masked %eq3A_231 {strides = array<i32>} : memref<32xi32, #tpu.memory_space<vmem>>, vector<16xi32>, vector<16xi1>
          tpu.vector_store %arg14[%swap3A_248], %get3A_215 masked %eq3A_231 {strides = array<i32>} : memref<32xi32, #tpu.memory_space<vmem>>, vector<16xi32>, vector<16xi1>
          %iota3A_250 = tpu.iota {dimensions = array<i32: 0>} : vector<16xi32>
          %lt3A_251 = vector.broadcast %min3A_241 : i32 to vector<16xi32>
          %lt3A_252 = arith.cmpi slt, %iota3A_250, %lt3A_251 : vector<16xi32>
          %get3A_253 = arith.constant 0 : index
          %get3A_254 = tpu.vector_load %arg13[%get3A_253] {strides = array<i32>} : memref<32xf32, #tpu.memory_space<vmem>>, vector<16xf32>,
          %swap3A_255 = arith.index_cast %add3A_229 : i32 to index
          %swap3A_256 = tpu.vector_load %arg11[%swap3A_255] masked %lt3A_252 {strides = array<i32>} : memref<64xf32, #tpu.memory_space<vmem>>, vector<16xf32>, vector<16xi1>
          tpu.vector_store %arg11[%swap3A_255], %get3A_254 masked %lt3A_252 {strides = array<i32>} : memref<64xf32, #tpu.memory_space<vmem>>, vector<16xf32>, vector<16xi1>
          %get3A_257 = arith.constant 0 : index
          %get3A_258 = tpu.vector_load %arg14[%get3A_257] {strides = array<i32>} : memref<32xi32, #tpu.memory_space<vmem>>, vector<16xi32>,
          %swap3A_259 = arith.index_cast %add3A_229 : i32 to index
          %swap3A_260 = tpu.vector_load %arg12[%swap3A_259] masked %lt3A_252 {strides = array<i32>} : memref<64xi32, #tpu.memory_space<vmem>>, vector<16xi32>, vector<16xi1>
          tpu.vector_store %arg12[%swap3A_259], %get3A_258 masked %lt3A_252 {strides = array<i32>} : memref<64xi32, #tpu.memory_space<vmem>>, vector<16xi32>, vector<16xi1>
        } else {
        }
        %add3A_244 = arith.addi %add3A_229, %min3A_241 : i32
        %sub3A_245 = arith.subi %while3A_203, %min3A_241 : i32
        scf.yield %add3A_244, %sub3A_245 : i32, i32
      }
      %get3A_121 = arith.constant 0 : index
      %get3A_122 = tpu.vector_load %arg11[%get3A_121] {strides = array<i32>} : memref<64xf32, #tpu.memory_space<vmem>>, vector<16xf32>,
      %max3A = arith.constant 0.000000e+00 : f32
      %max3A_123 = vector.broadcast %max3A : f32 to vector<16xf32>
      %max3A_124 = arith.maximumf %get3A_122, %max3A_123 : vector<16xf32>
      %get3A_125 = arith.constant 16 : index
      %get3A_126 = tpu.vector_load %arg11[%get3A_125] {strides = array<i32>} : memref<64xf32, #tpu.memory_space<vmem>>, vector<16xf32>,
      %max3A_127 = arith.constant 0.000000e+00 : f32
      %max3A_128 = vector.broadcast %max3A_127 : f32 to vector<16xf32>
      %max3A_129 = arith.maximumf %get3A_126, %max3A_128 : vector<16xf32>
      %get3A_130 = arith.constant 24 : index
      %get3A_131 = tpu.vector_load %arg11[%get3A_130] {strides = array<i32>} : memref<64xf32, #tpu.memory_space<vmem>>, vector<16xf32>,
      %max3A_132 = arith.constant 0.000000e+00 : f32
      %max3A_133 = vector.broadcast %max3A_132 : f32 to vector<16xf32>
      %max3A_134 = arith.maximumf %get3A_131, %max3A_133 : vector<16xf32>
      %mul3A_135 = arith.constant 40 : i32
      %mul3A_136 = arith.muli %while3A_20, %mul3A_135 : i32
      %add3A_137 = arith.constant 0 : i32
      %add3A_138 = arith.addi %mul3A_136, %add3A_137 : i32
      %swap3A_139 = arith.index_cast %add3A_138 : i32 to index
      %swap3A_140 = tpu.vector_load %arg17[%swap3A_139] {strides = array<i32>} : memref<12800xf32, #tpu.memory_space<vmem>>, vector<16xf32>,
      tpu.vector_store %arg17[%swap3A_139], %max3A_124 {strides = array<i32>} : memref<12800xf32, #tpu.memory_space<vmem>>, vector<16xf32>,
      %mul3A_141 = arith.constant 40 : i32
      %mul3A_142 = arith.muli %while3A_20, %mul3A_141 : i32
      %add3A_143 = arith.constant 16 : i32
      %add3A_144 = arith.addi %mul3A_142, %add3A_143 : i32
      %swap3A_145 = arith.index_cast %add3A_144 : i32 to index
      %swap3A_146 = tpu.vector_load %arg17[%swap3A_145] {strides = array<i32>} : memref<12800xf32, #tpu.memory_space<vmem>>, vector<16xf32>,
      tpu.vector_store %arg17[%swap3A_145], %max3A_129 {strides = array<i32>} : memref<12800xf32, #tpu.memory_space<vmem>>, vector<16xf32>,
      %mul3A_147 = arith.constant 40 : i32
      %mul3A_148 = arith.muli %while3A_20, %mul3A_147 : i32
      %add3A_149 = arith.constant 24 : i32
      %add3A_150 = arith.addi %mul3A_148, %add3A_149 : i32
      %swap3A_151 = arith.index_cast %add3A_150 : i32 to index
      %swap3A_152 = tpu.vector_load %arg17[%swap3A_151] {strides = array<i32>} : memref<12800xf32, #tpu.memory_space<vmem>>, vector<16xf32>,
      tpu.vector_store %arg17[%swap3A_151], %max3A_134 {strides = array<i32>} : memref<12800xf32, #tpu.memory_space<vmem>>, vector<16xf32>,
      %get3A_153 = arith.constant 0 : index
      %get3A_154 = tpu.vector_load %arg12[%get3A_153] {strides = array<i32>} : memref<64xi32, #tpu.memory_space<vmem>>, vector<16xi32>,
      %mul3A_155 = arith.constant 40 : i32
      %mul3A_156 = arith.muli %while3A_20, %mul3A_155 : i32
      %add3A_157 = arith.constant 0 : i32
      %add3A_158 = arith.addi %mul3A_156, %add3A_157 : i32
      %swap3A_159 = arith.index_cast %add3A_158 : i32 to index
      %swap3A_160 = tpu.vector_load %arg18[%swap3A_159] {strides = array<i32>} : memref<12800xi32, #tpu.memory_space<vmem>>, vector<16xi32>,
      tpu.vector_store %arg18[%swap3A_159], %get3A_154 {strides = array<i32>} : memref<12800xi32, #tpu.memory_space<vmem>>, vector<16xi32>,
      %get3A_161 = arith.constant 16 : index
      %get3A_162 = tpu.vector_load %arg12[%get3A_161] {strides = array<i32>} : memref<64xi32, #tpu.memory_space<vmem>>, vector<16xi32>,
      %mul3A_163 = arith.constant 40 : i32
      %mul3A_164 = arith.muli %while3A_20, %mul3A_163 : i32
      %add3A_165 = arith.constant 16 : i32
      %add3A_166 = arith.addi %mul3A_164, %add3A_165 : i32
      %swap3A_167 = arith.index_cast %add3A_166 : i32 to index
      %swap3A_168 = tpu.vector_load %arg18[%swap3A_167] {strides = array<i32>} : memref<12800xi32, #tpu.memory_space<vmem>>, vector<16xi32>,
      tpu.vector_store %arg18[%swap3A_167], %get3A_162 {strides = array<i32>} : memref<12800xi32, #tpu.memory_space<vmem>>, vector<16xi32>,
      %get3A_169 = arith.constant 24 : index
      %get3A_170 = tpu.vector_load %arg12[%get3A_169] {strides = array<i32>} : memref<64xi32, #tpu.memory_space<vmem>>, vector<16xi32>,
      %mul3A_171 = arith.constant 40 : i32
      %mul3A_172 = arith.muli %while3A_20, %mul3A_171 : i32
      %add3A_173 = arith.constant 24 : i32
      %add3A_174 = arith.addi %mul3A_172, %add3A_173 : i32
      %swap3A_175 = arith.index_cast %add3A_174 : i32 to index
      %swap3A_176 = tpu.vector_load %arg18[%swap3A_175] {strides = array<i32>} : memref<12800xi32, #tpu.memory_space<vmem>>, vector<16xi32>,
      tpu.vector_store %arg18[%swap3A_175], %get3A_170 {strides = array<i32>} : memref<12800xi32, #tpu.memory_space<vmem>>, vector<16xi32>,
      %get3A_177 = arith.constant 0 : index
      %get3A_178 = tpu.vector_load %arg11[%get3A_177] {strides = array<i32>} : memref<64xf32, #tpu.memory_space<vmem>>, vector<16xf32>,
      %reduce_max3A_179 = arith.constant true
      %reduce_max3A_180 = vector.broadcast %reduce_max3A_179 : i1 to vector<16xi1>
      %reduce_max3A_181 = tpu.scan <max>, %get3A_178 masked %reduce_max3A_180 : vector<16xf32>, vector<16xi1> -> vector<16xf32>
      %reduce_max3A_182 = vector.extract %reduce_max3A_181[15] : f32 from vector<16xf32>
      %get3A_183 = arith.constant 16 : index
      %get3A_184 = tpu.vector_load %arg11[%get3A_183] {strides = array<i32>} : memref<64xf32, #tpu.memory_space<vmem>>, vector<16xf32>,
      %reduce_max3A_185 = arith.constant true
      %reduce_max3A_186 = vector.broadcast %reduce_max3A_185 : i1 to vector<16xi1>
      %reduce_max3A_187 = tpu.scan <max>, %get3A_184 masked %reduce_max3A_186 : vector<16xf32>, vector<16xi1> -> vector<16xf32>
      %reduce_max3A_188 = vector.extract %reduce_max3A_187[15] : f32 from vector<16xf32>
      %get3A_189 = arith.constant 24 : index
      %get3A_190 = tpu.vector_load %arg11[%get3A_189] {strides = array<i32>} : memref<64xf32, #tpu.memory_space<vmem>>, vector<16xf32>,
      %reduce_max3A_191 = arith.constant true
      %reduce_max3A_192 = vector.broadcast %reduce_max3A_191 : i1 to vector<16xi1>
      %reduce_max3A_193 = tpu.scan <max>, %get3A_190 masked %reduce_max3A_192 : vector<16xf32>, vector<16xi1> -> vector<16xf32>
      %reduce_max3A_194 = vector.extract %reduce_max3A_193[15] : f32 from vector<16xf32>
      %max3A_195 = arith.maximumf %reduce_max3A_188, %reduce_max3A_194 : f32
      %max3A_196 = arith.maximumf %reduce_max3A_182, %max3A_195 : f32
      %mul3A_197 = arith.constant 4.000000e+00 : f32
      %mul3A_198 = arith.mulf %max3A_196, %mul3A_197 : f32
      %add3A_199 = arith.constant 0.00999999977 : f32
      %add3A_200 = arith.addf %mul3A_198, %add3A_199 : f32
      scf.yield %add3A_200 : f32
    }
    %while3A_14 = arith.constant 1 : i32
    %while3A_15 = scf.for %while3A_20 = %while3A_11 to %while3A_7 step %while3A_14 iter_args(%while3A_21 = %while3A_13) -> (f32)  : i32 {
      %add3A_22 = arith.addi %mul3A_2, %while3A_20 : i32
      "tpu.region"() ({
        %run_scoped3A = tpu.sem_alloc : memref<!tpu.dma_semaphore, #tpu.memory_space<semaphore_mem>>
        %dma_start3A = arith.constant 0 : i32
        %dma_start3A_201 = tpu.memref_slice %arg2[%add3A_22, %dma_start3A] : memref<10000x10000xf32, #tpu.memory_space<hbm>> -> memref<1x10000xf32, #tpu.memory_space<hbm>>
        %dma_start3A_202 = tpu.memref_squeeze %dma_start3A_201 : memref<1x10000xf32, #tpu.memory_space<hbm>> -> memref<10000xf32, #tpu.memory_space<hbm>>
        %dma_start3A_203 = arith.constant 0 : i32
        %dma_start3A_204 = tpu.memref_slice %arg2[%add3A_22, %dma_start3A_203] : memref<10000x10000xf32, #tpu.memory_space<hbm>> -> memref<1x10000xf32, #tpu.memory_space<hbm>>
        %dma_start3A_205 = tpu.memref_squeeze %dma_start3A_204 : memref<1x10000xf32, #tpu.memory_space<hbm>> -> memref<10000xf32, #tpu.memory_space<hbm>>
        tpu.enqueue_dma source(%dma_start3A_205 : memref<10000xf32, #tpu.memory_space<hbm>>) target(%arg7 : memref<10000xf32, #tpu.memory_space<vmem>>) target_semaphore(%run_scoped3A : memref<!tpu.dma_semaphore, #tpu.memory_space<semaphore_mem>>)
        %dma_wait3A = arith.constant 0 : i32
        %dma_wait3A_206 = tpu.memref_slice %arg2[%add3A_22, %dma_wait3A] : memref<10000x10000xf32, #tpu.memory_space<hbm>> -> memref<1x10000xf32, #tpu.memory_space<hbm>>
        %dma_wait3A_207 = tpu.memref_squeeze %dma_wait3A_206 : memref<1x10000xf32, #tpu.memory_space<hbm>> -> memref<10000xf32, #tpu.memory_space<hbm>>
        %dma_wait3A_208 = arith.constant 0 : i32
        %dma_wait3A_209 = tpu.memref_slice %arg2[%add3A_22, %dma_wait3A_208] : memref<10000x10000xf32, #tpu.memory_space<hbm>> -> memref<1x10000xf32, #tpu.memory_space<hbm>>
        %dma_wait3A_210 = tpu.memref_squeeze %dma_wait3A_209 : memref<1x10000xf32, #tpu.memory_space<hbm>> -> memref<10000xf32, #tpu.memory_space<hbm>>
        tpu.wait_dma2 semaphore(%run_scoped3A : memref<!tpu.dma_semaphore, #tpu.memory_space<semaphore_mem>>) src(%dma_wait3A_210 : memref<10000xf32, #tpu.memory_space<hbm>>) dst(%arg7 : memref<10000xf32, #tpu.memory_space<vmem>>)
        tpu.yield
      }) : () -> ()
      %div3A = arith.constant 16 : i32
      %div3A_23 = arith.divsi %while3A_20, %div3A : i32
      %mul3A_24 = arith.constant 16 : i32
      %mul3A_25 = arith.muli %div3A_23, %mul3A_24 : i32
      %sub3A_26 = arith.subi %while3A_20, %mul3A_25 : i32
      %iota3A = tpu.iota {dimensions = array<i32: 0>} : vector<16xi32>
      %eq3A = vector.broadcast %sub3A_26 : i32 to vector<16xi32>
      %eq3A_27 = arith.cmpi eq, %iota3A, %eq3A : vector<16xi32>
      %get3A = arith.index_cast %mul3A_25 : i32 to index
      %get3A_28 = tpu.vector_load %arg15[%get3A] {strides = array<i32>} : memref<336xi32, #tpu.memory_space<vmem>>, vector<16xi32>,
      %jit3A = arith.constant -1 : i32
      %broadcast_in_dim3A = vector.broadcast %jit3A : i32 to vector<16xi32>
      %select_n3A = arith.select %eq3A_27, %get3A_28, %broadcast_in_dim3A : vector<16xi1>, vector<16xi32>
      %reduce_max3A = arith.constant true
      %reduce_max3A_29 = vector.broadcast %reduce_max3A : i1 to vector<16xi1>
      %reduce_max3A_30 = arith.constant -2147483648 : i32
      %reduce_max3A_31 = vector.broadcast %reduce_max3A_30 : i32 to vector<16xi32>
      %reduce_max3A_32 = arith.xori %select_n3A, %reduce_max3A_31 : vector<16xi32>
      %reduce_max3A_33 = tpu.scan <max>, %reduce_max3A_32 masked %reduce_max3A_29 : vector<16xi32>, vector<16xi1> -> vector<16xi32>
      %reduce_max3A_34 = arith.xori %reduce_max3A_33, %reduce_max3A_31 : vector<16xi32>
      %reduce_max3A_35 = vector.extract %reduce_max3A_34[15] : i32 from vector<16xi32>
      %get3A_36 = arith.index_cast %mul3A_25 : i32 to index
      %get3A_37 = tpu.vector_load %arg16[%get3A_36] {strides = array<i32>} : memref<336xi32, #tpu.memory_space<vmem>>, vector<16xi32>,
      %jit3A_38 = arith.constant -1 : i32
      %broadcast_in_dim3A_39 = vector.broadcast %jit3A_38 : i32 to vector<16xi32>
      %select_n3A_40 = arith.select %eq3A_27, %get3A_37, %broadcast_in_dim3A_39 : vector<16xi1>, vector<16xi32>
      %reduce_max3A_41 = arith.constant true
      %reduce_max3A_42 = vector.broadcast %reduce_max3A_41 : i1 to vector<16xi1>
      %reduce_max3A_43 = arith.constant -2147483648 : i32
      %reduce_max3A_44 = vector.broadcast %reduce_max3A_43 : i32 to vector<16xi32>
      %reduce_max3A_45 = arith.xori %select_n3A_40, %reduce_max3A_44 : vector<16xi32>
      %reduce_max3A_46 = tpu.scan <max>, %reduce_max3A_45 masked %reduce_max3A_42 : vector<16xi32>, vector<16xi1> -> vector<16xi32>
      %reduce_max3A_47 = arith.xori %reduce_max3A_46, %reduce_max3A_44 : vector<16xi32>
      %reduce_max3A_48 = vector.extract %reduce_max3A_47[15] : i32 from vector<16xi32>
      %div3A_49 = arith.constant 16 : i32
      %div3A_50 = arith.divsi %reduce_max3A_35, %div3A_49 : i32
      %add3A_51 = arith.constant 15 : i32
      %add3A_52 = arith.addi %reduce_max3A_48, %add3A_51 : i32
      %div3A_53 = arith.constant 16 : i32
      %div3A_54 = arith.divsi %add3A_52, %div3A_53 : i32
      %while3A_55 = arith.constant 0 : i32
      %while3A_56 = arith.constant 0 : i32
      %while3A_57 = arith.subi %div3A_54, %div3A_50 : i32
      %while3A_58 = arith.addi %div3A_50, %while3A_57 : i32
      %while3A_59 = arith.constant 1 : i32
      %while3A_60 = arith.divsi %while3A_57, %while3A_59 : i32
      %while3A_61 = arith.muli %while3A_60, %while3A_59 : i32
      %while3A_62 = arith.addi %div3A_50, %while3A_61 : i32
      %while3A_63 = arith.constant 1 : i32
      %while3A_64:2 = scf.for %while3A_201 = %div3A_50 to %while3A_62 step %while3A_63 iter_args(%while3A_202 = %while3A_55, %while3A_203 = %while3A_56) -> (i32, i32)  : i32 {
        %mul3A_204 = arith.constant 16 : i32
        %mul3A_205 = arith.muli %while3A_201, %mul3A_204 : i32
        %get3A_206 = arith.index_cast %mul3A_205 : i32 to index
        %get3A_207 = tpu.vector_load %arg7[%get3A_206] {strides = array<i32>} : memref<10000xf32, #tpu.memory_space<vmem>>, vector<16xf32>,
        %iota3A_208 = tpu.iota {dimensions = array<i32: 0>} : vector<16xi32>
        %mul3A_209 = arith.constant 16 : i32
        %mul3A_210 = arith.muli %while3A_201, %mul3A_209 : i32
        %add3A_211 = vector.broadcast %mul3A_210 : i32 to vector<16xi32>
        %add3A_212 = arith.addi %iota3A_208, %add3A_211 : vector<16xi32>
        %lt3A = vector.broadcast %while3A_21 : f32 to vector<16xf32>
        %lt3A_213 = arith.cmpf olt, %get3A_207, %lt3A : vector<16xf32>
        %ge3A = vector.broadcast %reduce_max3A_35 : i32 to vector<16xi32>
        %ge3A_214 = arith.cmpi sge, %add3A_212, %ge3A : vector<16xi32>
        %and3A = arith.andi %lt3A_213, %ge3A_214 : vector<16xi1>
        %lt3A_215 = vector.broadcast %reduce_max3A_48 : i32 to vector<16xi32>
        %lt3A_216 = arith.cmpi slt, %add3A_212, %lt3A_215 : vector<16xi32>
        %and3A_217 = arith.andi %and3A, %lt3A_216 : vector<16xi1>
        %lt3A_218 = arith.constant 4096 : i32
        %lt3A_219 = arith.cmpi slt, %while3A_202, %lt3A_218 : i32
        %and3A_220 = vector.broadcast %lt3A_219 : i1 to vector<16xi1>
        %and3A_221 = arith.andi %and3A_217, %and3A_220 : vector<16xi1>
        %all_reduce_population_count3A = tpu.all_reduce %and3A_221 {dim = 0 : i64, kind = #tpu.reduction_kind<sum>} : vector<16xi1> -> vector<16xi32>
        %reduce_max3A_222 = arith.constant true
        %reduce_max3A_223 = vector.broadcast %reduce_max3A_222 : i1 to vector<16xi1>
        %reduce_max3A_224 = arith.constant -2147483648 : i32
        %reduce_max3A_225 = vector.broadcast %reduce_max3A_224 : i32 to vector<16xi32>
        %reduce_max3A_226 = arith.xori %all_reduce_population_count3A, %reduce_max3A_225 : vector<16xi32>
        %reduce_max3A_227 = tpu.scan <max>, %reduce_max3A_226 masked %reduce_max3A_223 : vector<16xi32>, vector<16xi1> -> vector<16xi32>
        %reduce_max3A_228 = arith.xori %reduce_max3A_227, %reduce_max3A_225 : vector<16xi32>
        %reduce_max3A_229 = vector.extract %reduce_max3A_228[15] : i32 from vector<16xi32>
        %gt3A = arith.constant 0 : i32
        %gt3A_230 = arith.cmpi sgt, %reduce_max3A_229, %gt3A : i32
        %convert_element_type3A = arith.extui %gt3A_230 : i1 to i32
        %cond3A = arith.constant 0 : i32
        %cond3A_231 = arith.cmpi ne, %convert_element_type3A, %cond3A : i32
        scf.if %cond3A_231 {
          %bitcast3A = vector.bitcast %get3A_207 : vector<16xf32> to vector<16xi32>
          %lt3A_243 = arith.constant 0.000000e+00 : f32
          %lt3A_244 = vector.broadcast %lt3A_243 : f32 to vector<16xf32>
          %lt3A_245 = arith.cmpf olt, %get3A_207, %lt3A_244 : vector<16xf32>
          %jit3A_246 = arith.constant 2147483647 : i32
          %jit3A_247 = arith.constant 0 : i32
          %broadcast_in_dim3A_248 = vector.broadcast %jit3A_246 : i32 to vector<16xi32>
          %broadcast_in_dim3A_249 = vector.broadcast %jit3A_247 : i32 to vector<16xi32>
          %select_n3A_250 = arith.select %lt3A_245, %broadcast_in_dim3A_248, %broadcast_in_dim3A_249 : vector<16xi1>, vector<16xi32>
          %xor3A_251 = arith.xori %bitcast3A, %select_n3A_250 : vector<16xi32>
          %swap3A_252 = arith.index_cast %while3A_202 : i32 to index
          %swap3A_253 = tpu.vector_load %arg8[%swap3A_252] masked %and3A_221 {strides = array<i32>} : memref<4128xi32, #tpu.memory_space<vmem>>, vector<16xi32>, vector<16xi1>
          tpu.vector_store %arg8[%swap3A_252], %xor3A_251 masked %and3A_221 {strides = array<i32>} : memref<4128xi32, #tpu.memory_space<vmem>>, vector<16xi32>, vector<16xi1>
          %swap3A_254 = arith.index_cast %while3A_202 : i32 to index
          %swap3A_255 = tpu.vector_load %arg9[%swap3A_254] masked %and3A_221 {strides = array<i32>} : memref<4128xf32, #tpu.memory_space<vmem>>, vector<16xf32>, vector<16xi1>
          tpu.vector_store %arg9[%swap3A_254], %get3A_207 masked %and3A_221 {strides = array<i32>} : memref<4128xf32, #tpu.memory_space<vmem>>, vector<16xf32>, vector<16xi1>
          %swap3A_256 = arith.index_cast %while3A_202 : i32 to index
          %swap3A_257 = tpu.vector_load %arg10[%swap3A_256] masked %and3A_221 {strides = array<i32>} : memref<4128xi32, #tpu.memory_space<vmem>>, vector<16xi32>, vector<16xi1>
          tpu.vector_store %arg10[%swap3A_256], %add3A_212 masked %and3A_221 {strides = array<i32>} : memref<4128xi32, #tpu.memory_space<vmem>>, vector<16xi32>, vector<16xi1>
        } else {
        }
        %add3A_232 = arith.addi %while3A_202, %reduce_max3A_229 : i32
        %all_reduce_population_count3A_233 = tpu.all_reduce %and3A_217 {dim = 0 : i64, kind = #tpu.reduction_kind<sum>} : vector<16xi1> -> vector<16xi32>
        %reduce_max3A_234 = arith.constant true
        %reduce_max3A_235 = vector.broadcast %reduce_max3A_234 : i1 to vector<16xi1>
        %reduce_max3A_236 = arith.constant -2147483648 : i32
        %reduce_max3A_237 = vector.broadcast %reduce_max3A_236 : i32 to vector<16xi32>
        %reduce_max3A_238 = arith.xori %all_reduce_population_count3A_233, %reduce_max3A_237 : vector<16xi32>
        %reduce_max3A_239 = tpu.scan <max>, %reduce_max3A_238 masked %reduce_max3A_235 : vector<16xi32>, vector<16xi1> -> vector<16xi32>
        %reduce_max3A_240 = arith.xori %reduce_max3A_239, %reduce_max3A_237 : vector<16xi32>
        %reduce_max3A_241 = vector.extract %reduce_max3A_240[15] : i32 from vector<16xi32>
        %add3A_242 = arith.addi %while3A_203, %reduce_max3A_241 : i32
        scf.yield %add3A_232, %add3A_242 : i32, i32
      }
      %while3A_65 = arith.constant 1 : i32
      %while3A_66:2 = scf.for %while3A_201 = %while3A_62 to %while3A_58 step %while3A_65 iter_args(%while3A_202 = %while3A_64#0, %while3A_203 = %while3A_64#1) -> (i32, i32)  : i32 {
        %mul3A_204 = arith.constant 16 : i32
        %mul3A_205 = arith.muli %while3A_201, %mul3A_204 : i32
        %get3A_206 = arith.index_cast %mul3A_205 : i32 to index
        %get3A_207 = tpu.vector_load %arg7[%get3A_206] {strides = array<i32>} : memref<10000xf32, #tpu.memory_space<vmem>>, vector<16xf32>,
        %iota3A_208 = tpu.iota {dimensions = array<i32: 0>} : vector<16xi32>
        %mul3A_209 = arith.constant 16 : i32
        %mul3A_210 = arith.muli %while3A_201, %mul3A_209 : i32
        %add3A_211 = vector.broadcast %mul3A_210 : i32 to vector<16xi32>
        %add3A_212 = arith.addi %iota3A_208, %add3A_211 : vector<16xi32>
        %lt3A = vector.broadcast %while3A_21 : f32 to vector<16xf32>
        %lt3A_213 = arith.cmpf olt, %get3A_207, %lt3A : vector<16xf32>
        %ge3A = vector.broadcast %reduce_max3A_35 : i32 to vector<16xi32>
        %ge3A_214 = arith.cmpi sge, %add3A_212, %ge3A : vector<16xi32>
        %and3A = arith.andi %lt3A_213, %ge3A_214 : vector<16xi1>
        %lt3A_215 = vector.broadcast %reduce_max3A_48 : i32 to vector<16xi32>
        %lt3A_216 = arith.cmpi slt, %add3A_212, %lt3A_215 : vector<16xi32>
        %and3A_217 = arith.andi %and3A, %lt3A_216 : vector<16xi1>
        %lt3A_218 = arith.constant 4096 : i32
        %lt3A_219 = arith.cmpi slt, %while3A_202, %lt3A_218 : i32
        %and3A_220 = vector.broadcast %lt3A_219 : i1 to vector<16xi1>
        %and3A_221 = arith.andi %and3A_217, %and3A_220 : vector<16xi1>
        %all_reduce_population_count3A = tpu.all_reduce %and3A_221 {dim = 0 : i64, kind = #tpu.reduction_kind<sum>} : vector<16xi1> -> vector<16xi32>
        %reduce_max3A_222 = arith.constant true
        %reduce_max3A_223 = vector.broadcast %reduce_max3A_222 : i1 to vector<16xi1>
        %reduce_max3A_224 = arith.constant -2147483648 : i32
        %reduce_max3A_225 = vector.broadcast %reduce_max3A_224 : i32 to vector<16xi32>
        %reduce_max3A_226 = arith.xori %all_reduce_population_count3A, %reduce_max3A_225 : vector<16xi32>
        %reduce_max3A_227 = tpu.scan <max>, %reduce_max3A_226 masked %reduce_max3A_223 : vector<16xi32>, vector<16xi1> -> vector<16xi32>
        %reduce_max3A_228 = arith.xori %reduce_max3A_227, %reduce_max3A_225 : vector<16xi32>
        %reduce_max3A_229 = vector.extract %reduce_max3A_228[15] : i32 from vector<16xi32>
        %gt3A = arith.constant 0 : i32
        %gt3A_230 = arith.cmpi sgt, %reduce_max3A_229, %gt3A : i32
        %convert_element_type3A = arith.extui %gt3A_230 : i1 to i32
        %cond3A = arith.constant 0 : i32
        %cond3A_231 = arith.cmpi ne, %convert_element_type3A, %cond3A : i32
        scf.if %cond3A_231 {
          %bitcast3A = vector.bitcast %get3A_207 : vector<16xf32> to vector<16xi32>
          %lt3A_243 = arith.constant 0.000000e+00 : f32
          %lt3A_244 = vector.broadcast %lt3A_243 : f32 to vector<16xf32>
          %lt3A_245 = arith.cmpf olt, %get3A_207, %lt3A_244 : vector<16xf32>
          %jit3A_246 = arith.constant 2147483647 : i32
          %jit3A_247 = arith.constant 0 : i32
          %broadcast_in_dim3A_248 = vector.broadcast %jit3A_246 : i32 to vector<16xi32>
          %broadcast_in_dim3A_249 = vector.broadcast %jit3A_247 : i32 to vector<16xi32>
          %select_n3A_250 = arith.select %lt3A_245, %broadcast_in_dim3A_248, %broadcast_in_dim3A_249 : vector<16xi1>, vector<16xi32>
          %xor3A_251 = arith.xori %bitcast3A, %select_n3A_250 : vector<16xi32>
          %swap3A_252 = arith.index_cast %while3A_202 : i32 to index
          %swap3A_253 = tpu.vector_load %arg8[%swap3A_252] masked %and3A_221 {strides = array<i32>} : memref<4128xi32, #tpu.memory_space<vmem>>, vector<16xi32>, vector<16xi1>
          tpu.vector_store %arg8[%swap3A_252], %xor3A_251 masked %and3A_221 {strides = array<i32>} : memref<4128xi32, #tpu.memory_space<vmem>>, vector<16xi32>, vector<16xi1>
          %swap3A_254 = arith.index_cast %while3A_202 : i32 to index
          %swap3A_255 = tpu.vector_load %arg9[%swap3A_254] masked %and3A_221 {strides = array<i32>} : memref<4128xf32, #tpu.memory_space<vmem>>, vector<16xf32>, vector<16xi1>
          tpu.vector_store %arg9[%swap3A_254], %get3A_207 masked %and3A_221 {strides = array<i32>} : memref<4128xf32, #tpu.memory_space<vmem>>, vector<16xf32>, vector<16xi1>
          %swap3A_256 = arith.index_cast %while3A_202 : i32 to index
          %swap3A_257 = tpu.vector_load %arg10[%swap3A_256] masked %and3A_221 {strides = array<i32>} : memref<4128xi32, #tpu.memory_space<vmem>>, vector<16xi32>, vector<16xi1>
          tpu.vector_store %arg10[%swap3A_256], %add3A_212 masked %and3A_221 {strides = array<i32>} : memref<4128xi32, #tpu.memory_space<vmem>>, vector<16xi32>, vector<16xi1>
        } else {
        }
        %add3A_232 = arith.addi %while3A_202, %reduce_max3A_229 : i32
        %all_reduce_population_count3A_233 = tpu.all_reduce %and3A_217 {dim = 0 : i64, kind = #tpu.reduction_kind<sum>} : vector<16xi1> -> vector<16xi32>
        %reduce_max3A_234 = arith.constant true
        %reduce_max3A_235 = vector.broadcast %reduce_max3A_234 : i1 to vector<16xi1>
        %reduce_max3A_236 = arith.constant -2147483648 : i32
        %reduce_max3A_237 = vector.broadcast %reduce_max3A_236 : i32 to vector<16xi32>
        %reduce_max3A_238 = arith.xori %all_reduce_population_count3A_233, %reduce_max3A_237 : vector<16xi32>
        %reduce_max3A_239 = tpu.scan <max>, %reduce_max3A_238 masked %reduce_max3A_235 : vector<16xi32>, vector<16xi1> -> vector<16xi32>
        %reduce_max3A_240 = arith.xori %reduce_max3A_239, %reduce_max3A_237 : vector<16xi32>
        %reduce_max3A_241 = vector.extract %reduce_max3A_240[15] : i32 from vector<16xi32>
        %add3A_242 = arith.addi %while3A_203, %reduce_max3A_241 : i32
        scf.yield %add3A_232, %add3A_242 : i32, i32
      }
      %while3A_67 = arith.constant -1.000000e+09 : f32
      %while3A_68 = arith.constant 4.000000e+09 : f32
      %while3A_69 = arith.constant 0 : i32
      %while3A_70:6 = scf.while (%while3A_201 = %while3A_21, %while3A_202 = %while3A_67, %while3A_203 = %while3A_68, %while3A_204 = %while3A_66#0, %while3A_205 = %while3A_66#1, %while3A_206 = %while3A_69) : (f32, f32, f32, i32, i32, i32) -> (f32, f32, f32, i32, i32, i32) {
        %lt3A = arith.constant 40 : i32
        %lt3A_207 = arith.cmpi slt, %while3A_205, %lt3A : i32
        %gt3A = arith.constant 4096 : i32
        %gt3A_208 = arith.cmpi sgt, %while3A_205, %gt3A : i32
        %or3A = arith.ori %lt3A_207, %gt3A_208 : i1
        %lt3A_209 = arith.constant 48 : i32
        %lt3A_210 = arith.cmpi slt, %while3A_206, %lt3A_209 : i32
        %and3A = arith.andi %or3A, %lt3A_210 : i1
        scf.condition(%and3A) %while3A_201, %while3A_202, %while3A_203, %while3A_204, %while3A_205, %while3A_206 : f32, f32, f32, i32, i32, i32
      } do {
      ^bb0(%while3A_201: f32, %while3A_202: f32, %while3A_203: f32, %while3A_204: i32, %while3A_205: i32, %while3A_206: i32):
        %lt3A = arith.constant 40 : i32
        %lt3A_207 = arith.cmpi slt, %while3A_205, %lt3A : i32
        %select_n3A_208 = arith.select %lt3A_207, %while3A_201, %while3A_202 : f32
        %gt3A = arith.constant 4096 : i32
        %gt3A_209 = arith.cmpi sgt, %while3A_205, %gt3A : i32
        %select_n3A_210 = arith.select %gt3A_209, %while3A_201, %while3A_203 : f32
        %lt3A_211 = arith.constant 3.900000e+09 : f32
        %lt3A_212 = arith.cmpf olt, %select_n3A_210, %lt3A_211 : f32
        %gt3A_213 = arith.constant -9.000000e+08 : f32
        %gt3A_214 = arith.cmpf ogt, %select_n3A_208, %gt3A_213 : f32
        %add3A_215 = arith.addf %select_n3A_208, %select_n3A_210 : f32
        %mul3A_216 = arith.constant 5.000000e-01 : f32
        %mul3A_217 = arith.mulf %mul3A_216, %add3A_215 : f32
        %gt3A_218 = arith.constant 0.000000e+00 : f32
        %gt3A_219 = arith.cmpf ogt, %while3A_201, %gt3A_218 : f32
        %mul3A_220 = arith.constant 4.000000e+00 : f32
        %mul3A_221 = arith.mulf %while3A_201, %mul3A_220 : f32
        %add3A_222 = arith.constant 1.000000e+00 : f32
        %add3A_223 = arith.addf %mul3A_221, %add3A_222 : f32
        %mul3A_224 = arith.constant 2.500000e-01 : f32
        %mul3A_225 = arith.mulf %while3A_201, %mul3A_224 : f32
        %add3A_226 = arith.constant 1.000000e+00 : f32
        %add3A_227 = arith.addf %mul3A_225, %add3A_226 : f32
        %select_n3A_228 = arith.select %gt3A_219, %add3A_223, %add3A_227 : f32
        %select_n3A_229 = arith.select %lt3A_212, %mul3A_217, %select_n3A_228 : f32
        %gt3A_230 = arith.constant 0.000000e+00 : f32
        %gt3A_231 = arith.cmpf ogt, %while3A_201, %gt3A_230 : f32
        %mul3A_232 = arith.constant 2.500000e-01 : f32
        %mul3A_233 = arith.mulf %while3A_201, %mul3A_232 : f32
        %sub3A_234 = arith.constant 1.000000e+00 : f32
        %sub3A_235 = arith.subf %mul3A_233, %sub3A_234 : f32
        %mul3A_236 = arith.constant 4.000000e+00 : f32
        %mul3A_237 = arith.mulf %while3A_201, %mul3A_236 : f32
        %sub3A_238 = arith.constant 1.000000e+00 : f32
        %sub3A_239 = arith.subf %mul3A_237, %sub3A_238 : f32
        %select_n3A_240 = arith.select %gt3A_231, %sub3A_235, %sub3A_239 : f32
        %select_n3A_241 = arith.select %gt3A_214, %mul3A_217, %select_n3A_240 : f32
        %lt3A_242 = arith.constant 40 : i32
        %lt3A_243 = arith.cmpi slt, %while3A_205, %lt3A_242 : i32
        %select_n3A_244 = arith.select %lt3A_243, %select_n3A_229, %select_n3A_241 : f32
        %while3A_245 = arith.constant 0 : i32
        %while3A_246 = arith.constant 0 : i32
        %while3A_247 = arith.subi %div3A_54, %div3A_50 : i32
        %while3A_248 = arith.addi %div3A_50, %while3A_247 : i32
        %while3A_249 = arith.constant 1 : i32
        %while3A_250 = arith.divsi %while3A_247, %while3A_249 : i32
        %while3A_251 = arith.muli %while3A_250, %while3A_249 : i32
        %while3A_252 = arith.addi %div3A_50, %while3A_251 : i32
        %while3A_253 = arith.constant 1 : i32
        %while3A_254:2 = scf.for %while3A_259 = %div3A_50 to %while3A_252 step %while3A_253 iter_args(%while3A_260 = %while3A_245, %while3A_261 = %while3A_246) -> (i32, i32)  : i32 {
          %mul3A_262 = arith.constant 16 : i32
          %mul3A_263 = arith.muli %while3A_259, %mul3A_262 : i32
          %get3A_264 = arith.index_cast %mul3A_263 : i32 to index
          %get3A_265 = tpu.vector_load %arg7[%get3A_264] {strides = array<i32>} : memref<10000xf32, #tpu.memory_space<vmem>>, vector<16xf32>,
          %iota3A_266 = tpu.iota {dimensions = array<i32: 0>} : vector<16xi32>
          %mul3A_267 = arith.constant 16 : i32
          %mul3A_268 = arith.muli %while3A_259, %mul3A_267 : i32
          %add3A_269 = vector.broadcast %mul3A_268 : i32 to vector<16xi32>
          %add3A_270 = arith.addi %iota3A_266, %add3A_269 : vector<16xi32>
          %lt3A_271 = vector.broadcast %select_n3A_244 : f32 to vector<16xf32>
          %lt3A_272 = arith.cmpf olt, %get3A_265, %lt3A_271 : vector<16xf32>
          %ge3A = vector.broadcast %reduce_max3A_35 : i32 to vector<16xi32>
          %ge3A_273 = arith.cmpi sge, %add3A_270, %ge3A : vector<16xi32>
          %and3A = arith.andi %lt3A_272, %ge3A_273 : vector<16xi1>
          %lt3A_274 = vector.broadcast %reduce_max3A_48 : i32 to vector<16xi32>
          %lt3A_275 = arith.cmpi slt, %add3A_270, %lt3A_274 : vector<16xi32>
          %and3A_276 = arith.andi %and3A, %lt3A_275 : vector<16xi1>
          %lt3A_277 = arith.constant 4096 : i32
          %lt3A_278 = arith.cmpi slt, %while3A_260, %lt3A_277 : i32
          %and3A_279 = vector.broadcast %lt3A_278 : i1 to vector<16xi1>
          %and3A_280 = arith.andi %and3A_276, %and3A_279 : vector<16xi1>
          %all_reduce_population_count3A = tpu.all_reduce %and3A_280 {dim = 0 : i64, kind = #tpu.reduction_kind<sum>} : vector<16xi1> -> vector<16xi32>
          %reduce_max3A_281 = arith.constant true
          %reduce_max3A_282 = vector.broadcast %reduce_max3A_281 : i1 to vector<16xi1>
          %reduce_max3A_283 = arith.constant -2147483648 : i32
          %reduce_max3A_284 = vector.broadcast %reduce_max3A_283 : i32 to vector<16xi32>
          %reduce_max3A_285 = arith.xori %all_reduce_population_count3A, %reduce_max3A_284 : vector<16xi32>
          %reduce_max3A_286 = tpu.scan <max>, %reduce_max3A_285 masked %reduce_max3A_282 : vector<16xi32>, vector<16xi1> -> vector<16xi32>
          %reduce_max3A_287 = arith.xori %reduce_max3A_286, %reduce_max3A_284 : vector<16xi32>
          %reduce_max3A_288 = vector.extract %reduce_max3A_287[15] : i32 from vector<16xi32>
          %gt3A_289 = arith.constant 0 : i32
          %gt3A_290 = arith.cmpi sgt, %reduce_max3A_288, %gt3A_289 : i32
          %convert_element_type3A = arith.extui %gt3A_290 : i1 to i32
          %cond3A = arith.constant 0 : i32
          %cond3A_291 = arith.cmpi ne, %convert_element_type3A, %cond3A : i32
          scf.if %cond3A_291 {
            %bitcast3A = vector.bitcast %get3A_265 : vector<16xf32> to vector<16xi32>
            %lt3A_303 = arith.constant 0.000000e+00 : f32
            %lt3A_304 = vector.broadcast %lt3A_303 : f32 to vector<16xf32>
            %lt3A_305 = arith.cmpf olt, %get3A_265, %lt3A_304 : vector<16xf32>
            %jit3A_306 = arith.constant 2147483647 : i32
            %jit3A_307 = arith.constant 0 : i32
            %broadcast_in_dim3A_308 = vector.broadcast %jit3A_306 : i32 to vector<16xi32>
            %broadcast_in_dim3A_309 = vector.broadcast %jit3A_307 : i32 to vector<16xi32>
            %select_n3A_310 = arith.select %lt3A_305, %broadcast_in_dim3A_308, %broadcast_in_dim3A_309 : vector<16xi1>, vector<16xi32>
            %xor3A_311 = arith.xori %bitcast3A, %select_n3A_310 : vector<16xi32>
            %swap3A_312 = arith.index_cast %while3A_260 : i32 to index
            %swap3A_313 = tpu.vector_load %arg8[%swap3A_312] masked %and3A_280 {strides = array<i32>} : memref<4128xi32, #tpu.memory_space<vmem>>, vector<16xi32>, vector<16xi1>
            tpu.vector_store %arg8[%swap3A_312], %xor3A_311 masked %and3A_280 {strides = array<i32>} : memref<4128xi32, #tpu.memory_space<vmem>>, vector<16xi32>, vector<16xi1>
            %swap3A_314 = arith.index_cast %while3A_260 : i32 to index
            %swap3A_315 = tpu.vector_load %arg9[%swap3A_314] masked %and3A_280 {strides = array<i32>} : memref<4128xf32, #tpu.memory_space<vmem>>, vector<16xf32>, vector<16xi1>
            tpu.vector_store %arg9[%swap3A_314], %get3A_265 masked %and3A_280 {strides = array<i32>} : memref<4128xf32, #tpu.memory_space<vmem>>, vector<16xf32>, vector<16xi1>
            %swap3A_316 = arith.index_cast %while3A_260 : i32 to index
            %swap3A_317 = tpu.vector_load %arg10[%swap3A_316] masked %and3A_280 {strides = array<i32>} : memref<4128xi32, #tpu.memory_space<vmem>>, vector<16xi32>, vector<16xi1>
            tpu.vector_store %arg10[%swap3A_316], %add3A_270 masked %and3A_280 {strides = array<i32>} : memref<4128xi32, #tpu.memory_space<vmem>>, vector<16xi32>, vector<16xi1>
          } else {
          }
          %add3A_292 = arith.addi %while3A_260, %reduce_max3A_288 : i32
          %all_reduce_population_count3A_293 = tpu.all_reduce %and3A_276 {dim = 0 : i64, kind = #tpu.reduction_kind<sum>} : vector<16xi1> -> vector<16xi32>
          %reduce_max3A_294 = arith.constant true
          %reduce_max3A_295 = vector.broadcast %reduce_max3A_294 : i1 to vector<16xi1>
          %reduce_max3A_296 = arith.constant -2147483648 : i32
          %reduce_max3A_297 = vector.broadcast %reduce_max3A_296 : i32 to vector<16xi32>
          %reduce_max3A_298 = arith.xori %all_reduce_population_count3A_293, %reduce_max3A_297 : vector<16xi32>
          %reduce_max3A_299 = tpu.scan <max>, %reduce_max3A_298 masked %reduce_max3A_295 : vector<16xi32>, vector<16xi1> -> vector<16xi32>
          %reduce_max3A_300 = arith.xori %reduce_max3A_299, %reduce_max3A_297 : vector<16xi32>
          %reduce_max3A_301 = vector.extract %reduce_max3A_300[15] : i32 from vector<16xi32>
          %add3A_302 = arith.addi %while3A_261, %reduce_max3A_301 : i32
          scf.yield %add3A_292, %add3A_302 : i32, i32
        }
        %while3A_255 = arith.constant 1 : i32
        %while3A_256:2 = scf.for %while3A_259 = %while3A_252 to %while3A_248 step %while3A_255 iter_args(%while3A_260 = %while3A_254#0, %while3A_261 = %while3A_254#1) -> (i32, i32)  : i32 {
          %mul3A_262 = arith.constant 16 : i32
          %mul3A_263 = arith.muli %while3A_259, %mul3A_262 : i32
          %get3A_264 = arith.index_cast %mul3A_263 : i32 to index
          %get3A_265 = tpu.vector_load %arg7[%get3A_264] {strides = array<i32>} : memref<10000xf32, #tpu.memory_space<vmem>>, vector<16xf32>,
          %iota3A_266 = tpu.iota {dimensions = array<i32: 0>} : vector<16xi32>
          %mul3A_267 = arith.constant 16 : i32
          %mul3A_268 = arith.muli %while3A_259, %mul3A_267 : i32
          %add3A_269 = vector.broadcast %mul3A_268 : i32 to vector<16xi32>
          %add3A_270 = arith.addi %iota3A_266, %add3A_269 : vector<16xi32>
          %lt3A_271 = vector.broadcast %select_n3A_244 : f32 to vector<16xf32>
          %lt3A_272 = arith.cmpf olt, %get3A_265, %lt3A_271 : vector<16xf32>
          %ge3A = vector.broadcast %reduce_max3A_35 : i32 to vector<16xi32>
          %ge3A_273 = arith.cmpi sge, %add3A_270, %ge3A : vector<16xi32>
          %and3A = arith.andi %lt3A_272, %ge3A_273 : vector<16xi1>
          %lt3A_274 = vector.broadcast %reduce_max3A_48 : i32 to vector<16xi32>
          %lt3A_275 = arith.cmpi slt, %add3A_270, %lt3A_274 : vector<16xi32>
          %and3A_276 = arith.andi %and3A, %lt3A_275 : vector<16xi1>
          %lt3A_277 = arith.constant 4096 : i32
          %lt3A_278 = arith.cmpi slt, %while3A_260, %lt3A_277 : i32
          %and3A_279 = vector.broadcast %lt3A_278 : i1 to vector<16xi1>
          %and3A_280 = arith.andi %and3A_276, %and3A_279 : vector<16xi1>
          %all_reduce_population_count3A = tpu.all_reduce %and3A_280 {dim = 0 : i64, kind = #tpu.reduction_kind<sum>} : vector<16xi1> -> vector<16xi32>
          %reduce_max3A_281 = arith.constant true
          %reduce_max3A_282 = vector.broadcast %reduce_max3A_281 : i1 to vector<16xi1>
          %reduce_max3A_283 = arith.constant -2147483648 : i32
          %reduce_max3A_284 = vector.broadcast %reduce_max3A_283 : i32 to vector<16xi32>
          %reduce_max3A_285 = arith.xori %all_reduce_population_count3A, %reduce_max3A_284 : vector<16xi32>
          %reduce_max3A_286 = tpu.scan <max>, %reduce_max3A_285 masked %reduce_max3A_282 : vector<16xi32>, vector<16xi1> -> vector<16xi32>
          %reduce_max3A_287 = arith.xori %reduce_max3A_286, %reduce_max3A_284 : vector<16xi32>
          %reduce_max3A_288 = vector.extract %reduce_max3A_287[15] : i32 from vector<16xi32>
          %gt3A_289 = arith.constant 0 : i32
          %gt3A_290 = arith.cmpi sgt, %reduce_max3A_288, %gt3A_289 : i32
          %convert_element_type3A = arith.extui %gt3A_290 : i1 to i32
          %cond3A = arith.constant 0 : i32
          %cond3A_291 = arith.cmpi ne, %convert_element_type3A, %cond3A : i32
          scf.if %cond3A_291 {
            %bitcast3A = vector.bitcast %get3A_265 : vector<16xf32> to vector<16xi32>
            %lt3A_303 = arith.constant 0.000000e+00 : f32
            %lt3A_304 = vector.broadcast %lt3A_303 : f32 to vector<16xf32>
            %lt3A_305 = arith.cmpf olt, %get3A_265, %lt3A_304 : vector<16xf32>
            %jit3A_306 = arith.constant 2147483647 : i32
            %jit3A_307 = arith.constant 0 : i32
            %broadcast_in_dim3A_308 = vector.broadcast %jit3A_306 : i32 to vector<16xi32>
            %broadcast_in_dim3A_309 = vector.broadcast %jit3A_307 : i32 to vector<16xi32>
            %select_n3A_310 = arith.select %lt3A_305, %broadcast_in_dim3A_308, %broadcast_in_dim3A_309 : vector<16xi1>, vector<16xi32>
            %xor3A_311 = arith.xori %bitcast3A, %select_n3A_310 : vector<16xi32>
            %swap3A_312 = arith.index_cast %while3A_260 : i32 to index
            %swap3A_313 = tpu.vector_load %arg8[%swap3A_312] masked %and3A_280 {strides = array<i32>} : memref<4128xi32, #tpu.memory_space<vmem>>, vector<16xi32>, vector<16xi1>
            tpu.vector_store %arg8[%swap3A_312], %xor3A_311 masked %and3A_280 {strides = array<i32>} : memref<4128xi32, #tpu.memory_space<vmem>>, vector<16xi32>, vector<16xi1>
            %swap3A_314 = arith.index_cast %while3A_260 : i32 to index
            %swap3A_315 = tpu.vector_load %arg9[%swap3A_314] masked %and3A_280 {strides = array<i32>} : memref<4128xf32, #tpu.memory_space<vmem>>, vector<16xf32>, vector<16xi1>
            tpu.vector_store %arg9[%swap3A_314], %get3A_265 masked %and3A_280 {strides = array<i32>} : memref<4128xf32, #tpu.memory_space<vmem>>, vector<16xf32>, vector<16xi1>
            %swap3A_316 = arith.index_cast %while3A_260 : i32 to index
            %swap3A_317 = tpu.vector_load %arg10[%swap3A_316] masked %and3A_280 {strides = array<i32>} : memref<4128xi32, #tpu.memory_space<vmem>>, vector<16xi32>, vector<16xi1>
            tpu.vector_store %arg10[%swap3A_316], %add3A_270 masked %and3A_280 {strides = array<i32>} : memref<4128xi32, #tpu.memory_space<vmem>>, vector<16xi32>, vector<16xi1>
          } else {
          }
          %add3A_292 = arith.addi %while3A_260, %reduce_max3A_288 : i32
          %all_reduce_population_count3A_293 = tpu.all_reduce %and3A_276 {dim = 0 : i64, kind = #tpu.reduction_kind<sum>} : vector<16xi1> -> vector<16xi32>
          %reduce_max3A_294 = arith.constant true
          %reduce_max3A_295 = vector.broadcast %reduce_max3A_294 : i1 to vector<16xi1>
          %reduce_max3A_296 = arith.constant -2147483648 : i32
          %reduce_max3A_297 = vector.broadcast %reduce_max3A_296 : i32 to vector<16xi32>
          %reduce_max3A_298 = arith.xori %all_reduce_population_count3A_293, %reduce_max3A_297 : vector<16xi32>
          %reduce_max3A_299 = tpu.scan <max>, %reduce_max3A_298 masked %reduce_max3A_295 : vector<16xi32>, vector<16xi1> -> vector<16xi32>
          %reduce_max3A_300 = arith.xori %reduce_max3A_299, %reduce_max3A_297 : vector<16xi32>
          %reduce_max3A_301 = vector.extract %reduce_max3A_300[15] : i32 from vector<16xi32>
          %add3A_302 = arith.addi %while3A_261, %reduce_max3A_301 : i32
          scf.yield %add3A_292, %add3A_302 : i32, i32
        }
        %add3A_257 = arith.constant 1 : i32
        %add3A_258 = arith.addi %while3A_206, %add3A_257 : i32
        scf.yield %select_n3A_244, %select_n3A_208, %select_n3A_210, %while3A_256#0, %while3A_256#1, %add3A_258 : f32, f32, f32, i32, i32, i32
      }
      %broadcast_in_dim3A_71 = arith.constant 2147483647 : i32
      %broadcast_in_dim3A_72 = vector.broadcast %broadcast_in_dim3A_71 : i32 to vector<16xi32>
      %swap3A = arith.index_cast %while3A_70#3 : i32 to index
      %swap3A_73 = tpu.vector_load %arg8[%swap3A] {strides = array<i32>} : memref<4128xi32, #tpu.memory_space<vmem>>, vector<16xi32>,
      tpu.vector_store %arg8[%swap3A], %broadcast_in_dim3A_72 {strides = array<i32>} : memref<4128xi32, #tpu.memory_space<vmem>>, vector<16xi32>,
      %add3A_74 = arith.constant 15 : i32
      %add3A_75 = arith.addi %while3A_70#3, %add3A_74 : i32
      %div3A_76 = arith.constant 16 : i32
      %div3A_77 = arith.divsi %add3A_75, %div3A_76 : i32
      %scan3A = arith.constant -2147483648 : i32
      %scan3A_78 = arith.constant 0 : i32
      %scan3A_79 = arith.constant 0 : i32
      %scan3A_80 = arith.constant 32 : i32
      %scan3A_81 = arith.addi %scan3A_79, %scan3A_80 : i32
      %scan3A_82 = arith.constant 1 : i32
      %scan3A_83 = scf.for %scan3A_201 = %scan3A_79 to %scan3A_81 step %scan3A_82 iter_args(%scan3A_202 = %scan3A_78) -> (i32)  : i32 {
        %sub3A_203 = arith.constant 31 : i32
        %sub3A_204 = arith.subi %sub3A_203, %scan3A_201 : i32
        %shift_left3A = arith.constant 1 : i32
        %shift_left3A_205 = arith.shli %shift_left3A, %sub3A_204 : i32
        %or3A = arith.ori %scan3A_202, %shift_left3A_205 : i32
        %xor3A_206 = arith.xori %or3A, %scan3A : i32
        %broadcast_in_dim3A_207 = arith.constant 0 : i32
        %broadcast_in_dim3A_208 = vector.broadcast %broadcast_in_dim3A_207 : i32 to vector<16xi32>
        %while3A_209 = arith.constant 0 : i32
        %while3A_210 = arith.subi %div3A_77, %while3A_209 : i32
        %while3A_211 = arith.addi %while3A_209, %while3A_210 : i32
        %while3A_212 = arith.constant 1 : i32
        %while3A_213 = arith.divsi %while3A_210, %while3A_212 : i32
        %while3A_214 = arith.muli %while3A_213, %while3A_212 : i32
        %while3A_215 = arith.addi %while3A_209, %while3A_214 : i32
        %while3A_216 = arith.constant 1 : i32
        %while3A_217 = scf.for %while3A_231 = %while3A_209 to %while3A_215 step %while3A_216 iter_args(%while3A_232 = %broadcast_in_dim3A_208) -> (vector<16xi32>)  : i32 {
          %mul3A_233 = arith.constant 16 : i32
          %mul3A_234 = arith.muli %while3A_231, %mul3A_233 : i32
          %get3A_235 = arith.index_cast %mul3A_234 : i32 to index
          %get3A_236 = tpu.vector_load %arg8[%get3A_235] {strides = array<i32>} : memref<4128xi32, #tpu.memory_space<vmem>>, vector<16xi32>,
          %lt3A = vector.broadcast %xor3A_206 : i32 to vector<16xi32>
          %lt3A_237 = arith.cmpi slt, %get3A_236, %lt3A : vector<16xi32>
          %all_reduce_population_count3A = tpu.all_reduce %lt3A_237 {dim = 0 : i64, kind = #tpu.reduction_kind<sum>} : vector<16xi1> -> vector<16xi32>
          %add3A_238 = arith.addi %while3A_232, %all_reduce_population_count3A : vector<16xi32>
          scf.yield %add3A_238 : vector<16xi32>
        }
        %while3A_218 = arith.constant 1 : i32
        %while3A_219 = scf.for %while3A_231 = %while3A_215 to %while3A_211 step %while3A_218 iter_args(%while3A_232 = %while3A_217) -> (vector<16xi32>)  : i32 {
          %mul3A_233 = arith.constant 16 : i32
          %mul3A_234 = arith.muli %while3A_231, %mul3A_233 : i32
          %get3A_235 = arith.index_cast %mul3A_234 : i32 to index
          %get3A_236 = tpu.vector_load %arg8[%get3A_235] {strides = array<i32>} : memref<4128xi32, #tpu.memory_space<vmem>>, vector<16xi32>,
          %lt3A = vector.broadcast %xor3A_206 : i32 to vector<16xi32>
          %lt3A_237 = arith.cmpi slt, %get3A_236, %lt3A : vector<16xi32>
          %all_reduce_population_count3A = tpu.all_reduce %lt3A_237 {dim = 0 : i64, kind = #tpu.reduction_kind<sum>} : vector<16xi1> -> vector<16xi32>
          %add3A_238 = arith.addi %while3A_232, %all_reduce_population_count3A : vector<16xi32>
          scf.yield %add3A_238 : vector<16xi32>
        }
        %reduce_max3A_220 = arith.constant true
        %reduce_max3A_221 = vector.broadcast %reduce_max3A_220 : i1 to vector<16xi1>
        %reduce_max3A_222 = arith.constant -2147483648 : i32
        %reduce_max3A_223 = vector.broadcast %reduce_max3A_222 : i32 to vector<16xi32>
        %reduce_max3A_224 = arith.xori %while3A_219, %reduce_max3A_223 : vector<16xi32>
        %reduce_max3A_225 = tpu.scan <max>, %reduce_max3A_224 masked %reduce_max3A_221 : vector<16xi32>, vector<16xi1> -> vector<16xi32>
        %reduce_max3A_226 = arith.xori %reduce_max3A_225, %reduce_max3A_223 : vector<16xi32>
        %reduce_max3A_227 = vector.extract %reduce_max3A_226[15] : i32 from vector<16xi32>
        %le3A = arith.constant 39 : i32
        %le3A_228 = arith.cmpi sle, %reduce_max3A_227, %le3A : i32
        %or3A_229 = arith.ori %scan3A_202, %shift_left3A_205 : i32
        %select_n3A_230 = arith.select %le3A_228, %or3A_229, %scan3A_202 : i32
        scf.yield %select_n3A_230 : i32
      }
      %scan3A_84 = arith.constant 32 : i32
      %xor3A = arith.constant -2147483648 : i32
      %xor3A_85 = arith.xori %scan3A_83, %xor3A : i32
      %broadcast_in_dim3A_86 = arith.constant 0 : i32
      %broadcast_in_dim3A_87 = vector.broadcast %broadcast_in_dim3A_86 : i32 to vector<16xi32>
      %while3A_88 = arith.constant 0 : i32
      %while3A_89 = arith.subi %div3A_77, %while3A_88 : i32
      %while3A_90 = arith.addi %while3A_88, %while3A_89 : i32
      %while3A_91 = arith.constant 1 : i32
      %while3A_92 = arith.divsi %while3A_89, %while3A_91 : i32
      %while3A_93 = arith.muli %while3A_92, %while3A_91 : i32
      %while3A_94 = arith.addi %while3A_88, %while3A_93 : i32
      %while3A_95 = arith.constant 1 : i32
      %while3A_96 = scf.for %while3A_201 = %while3A_88 to %while3A_94 step %while3A_95 iter_args(%while3A_202 = %broadcast_in_dim3A_87) -> (vector<16xi32>)  : i32 {
        %mul3A_203 = arith.constant 16 : i32
        %mul3A_204 = arith.muli %while3A_201, %mul3A_203 : i32
        %get3A_205 = arith.index_cast %mul3A_204 : i32 to index
        %get3A_206 = tpu.vector_load %arg8[%get3A_205] {strides = array<i32>} : memref<4128xi32, #tpu.memory_space<vmem>>, vector<16xi32>,
        %lt3A = vector.broadcast %xor3A_85 : i32 to vector<16xi32>
        %lt3A_207 = arith.cmpi slt, %get3A_206, %lt3A : vector<16xi32>
        %all_reduce_population_count3A = tpu.all_reduce %lt3A_207 {dim = 0 : i64, kind = #tpu.reduction_kind<sum>} : vector<16xi1> -> vector<16xi32>
        %add3A_208 = arith.addi %while3A_202, %all_reduce_population_count3A : vector<16xi32>
        scf.yield %add3A_208 : vector<16xi32>
      }
      %while3A_97 = arith.constant 1 : i32
      %while3A_98 = scf.for %while3A_201 = %while3A_94 to %while3A_90 step %while3A_97 iter_args(%while3A_202 = %while3A_96) -> (vector<16xi32>)  : i32 {
        %mul3A_203 = arith.constant 16 : i32
        %mul3A_204 = arith.muli %while3A_201, %mul3A_203 : i32
        %get3A_205 = arith.index_cast %mul3A_204 : i32 to index
        %get3A_206 = tpu.vector_load %arg8[%get3A_205] {strides = array<i32>} : memref<4128xi32, #tpu.memory_space<vmem>>, vector<16xi32>,
        %lt3A = vector.broadcast %xor3A_85 : i32 to vector<16xi32>
        %lt3A_207 = arith.cmpi slt, %get3A_206, %lt3A : vector<16xi32>
        %all_reduce_population_count3A = tpu.all_reduce %lt3A_207 {dim = 0 : i64, kind = #tpu.reduction_kind<sum>} : vector<16xi1> -> vector<16xi32>
        %add3A_208 = arith.addi %while3A_202, %all_reduce_population_count3A : vector<16xi32>
        scf.yield %add3A_208 : vector<16xi32>
      }
      %reduce_max3A_99 = arith.constant true
      %reduce_max3A_100 = vector.broadcast %reduce_max3A_99 : i1 to vector<16xi1>
      %reduce_max3A_101 = arith.constant -2147483648 : i32
      %reduce_max3A_102 = vector.broadcast %reduce_max3A_101 : i32 to vector<16xi32>
      %reduce_max3A_103 = arith.xori %while3A_98, %reduce_max3A_102 : vector<16xi32>
      %reduce_max3A_104 = tpu.scan <max>, %reduce_max3A_103 masked %reduce_max3A_100 : vector<16xi32>, vector<16xi1> -> vector<16xi32>
      %reduce_max3A_105 = arith.xori %reduce_max3A_104, %reduce_max3A_102 : vector<16xi32>
      %reduce_max3A_106 = vector.extract %reduce_max3A_105[15] : i32 from vector<16xi32>
      %sub3A_107 = arith.constant 40 : i32
      %sub3A_108 = arith.subi %sub3A_107, %reduce_max3A_106 : i32
      %while3A_109 = arith.constant 0 : i32
      %while3A_110 = arith.constant 0 : i32
      %while3A_111 = arith.subi %div3A_77, %while3A_109 : i32
      %while3A_112 = arith.addi %while3A_109, %while3A_111 : i32
      %while3A_113 = arith.constant 1 : i32
      %while3A_114 = arith.divsi %while3A_111, %while3A_113 : i32
      %while3A_115 = arith.muli %while3A_114, %while3A_113 : i32
      %while3A_116 = arith.addi %while3A_109, %while3A_115 : i32
      %while3A_117 = arith.constant 1 : i32
      %while3A_118:2 = scf.for %while3A_201 = %while3A_109 to %while3A_116 step %while3A_117 iter_args(%while3A_202 = %while3A_110, %while3A_203 = %sub3A_108) -> (i32, i32)  : i32 {
        %mul3A_204 = arith.constant 16 : i32
        %mul3A_205 = arith.muli %while3A_201, %mul3A_204 : i32
        %get3A_206 = arith.index_cast %mul3A_205 : i32 to index
        %get3A_207 = tpu.vector_load %arg8[%get3A_206] {strides = array<i32>} : memref<4128xi32, #tpu.memory_space<vmem>>, vector<16xi32>,
        %mul3A_208 = arith.constant 16 : i32
        %mul3A_209 = arith.muli %while3A_201, %mul3A_208 : i32
        %get3A_210 = arith.index_cast %mul3A_209 : i32 to index
        %get3A_211 = tpu.vector_load %arg9[%get3A_210] {strides = array<i32>} : memref<4128xf32, #tpu.memory_space<vmem>>, vector<16xf32>,
        %mul3A_212 = arith.constant 16 : i32
        %mul3A_213 = arith.muli %while3A_201, %mul3A_212 : i32
        %get3A_214 = arith.index_cast %mul3A_213 : i32 to index
        %get3A_215 = tpu.vector_load %arg10[%get3A_214] {strides = array<i32>} : memref<4128xi32, #tpu.memory_space<vmem>>, vector<16xi32>,
        %lt3A = vector.broadcast %xor3A_85 : i32 to vector<16xi32>
        %lt3A_216 = arith.cmpi slt, %get3A_207, %lt3A : vector<16xi32>
        %swap3A_217 = arith.index_cast %while3A_202 : i32 to index
        %swap3A_218 = tpu.vector_load %arg11[%swap3A_217] masked %lt3A_216 {strides = array<i32>} : memref<64xf32, #tpu.memory_space<vmem>>, vector<16xf32>, vector<16xi1>
        tpu.vector_store %arg11[%swap3A_217], %get3A_211 masked %lt3A_216 {strides = array<i32>} : memref<64xf32, #tpu.memory_space<vmem>>, vector<16xf32>, vector<16xi1>
        %swap3A_219 = arith.index_cast %while3A_202 : i32 to index
        %swap3A_220 = tpu.vector_load %arg12[%swap3A_219] masked %lt3A_216 {strides = array<i32>} : memref<64xi32, #tpu.memory_space<vmem>>, vector<16xi32>, vector<16xi1>
        tpu.vector_store %arg12[%swap3A_219], %get3A_215 masked %lt3A_216 {strides = array<i32>} : memref<64xi32, #tpu.memory_space<vmem>>, vector<16xi32>, vector<16xi1>
        %all_reduce_population_count3A = tpu.all_reduce %lt3A_216 {dim = 0 : i64, kind = #tpu.reduction_kind<sum>} : vector<16xi1> -> vector<16xi32>
        %reduce_max3A_221 = arith.constant true
        %reduce_max3A_222 = vector.broadcast %reduce_max3A_221 : i1 to vector<16xi1>
        %reduce_max3A_223 = arith.constant -2147483648 : i32
        %reduce_max3A_224 = vector.broadcast %reduce_max3A_223 : i32 to vector<16xi32>
        %reduce_max3A_225 = arith.xori %all_reduce_population_count3A, %reduce_max3A_224 : vector<16xi32>
        %reduce_max3A_226 = tpu.scan <max>, %reduce_max3A_225 masked %reduce_max3A_222 : vector<16xi32>, vector<16xi1> -> vector<16xi32>
        %reduce_max3A_227 = arith.xori %reduce_max3A_226, %reduce_max3A_224 : vector<16xi32>
        %reduce_max3A_228 = vector.extract %reduce_max3A_227[15] : i32 from vector<16xi32>
        %add3A_229 = arith.addi %while3A_202, %reduce_max3A_228 : i32
        %eq3A_230 = vector.broadcast %xor3A_85 : i32 to vector<16xi32>
        %eq3A_231 = arith.cmpi eq, %get3A_207, %eq3A_230 : vector<16xi32>
        %all_reduce_population_count3A_232 = tpu.all_reduce %eq3A_231 {dim = 0 : i64, kind = #tpu.reduction_kind<sum>} : vector<16xi1> -> vector<16xi32>
        %reduce_max3A_233 = arith.constant true
        %reduce_max3A_234 = vector.broadcast %reduce_max3A_233 : i1 to vector<16xi1>
        %reduce_max3A_235 = arith.constant -2147483648 : i32
        %reduce_max3A_236 = vector.broadcast %reduce_max3A_235 : i32 to vector<16xi32>
        %reduce_max3A_237 = arith.xori %all_reduce_population_count3A_232, %reduce_max3A_236 : vector<16xi32>
        %reduce_max3A_238 = tpu.scan <max>, %reduce_max3A_237 masked %reduce_max3A_234 : vector<16xi32>, vector<16xi1> -> vector<16xi32>
        %reduce_max3A_239 = arith.xori %reduce_max3A_238, %reduce_max3A_236 : vector<16xi32>
        %reduce_max3A_240 = vector.extract %reduce_max3A_239[15] : i32 from vector<16xi32>
        %min3A_241 = arith.minsi %while3A_203, %reduce_max3A_240 : i32
        %gt3A = arith.constant 0 : i32
        %gt3A_242 = arith.cmpi sgt, %min3A_241, %gt3A : i32
        %convert_element_type3A = arith.extui %gt3A_242 : i1 to i32
        %cond3A = arith.constant 0 : i32
        %cond3A_243 = arith.cmpi ne, %convert_element_type3A, %cond3A : i32
        scf.if %cond3A_243 {
          %swap3A_246 = arith.constant 0 : index
          %swap3A_247 = tpu.vector_load %arg13[%swap3A_246] masked %eq3A_231 {strides = array<i32>} : memref<32xf32, #tpu.memory_space<vmem>>, vector<16xf32>, vector<16xi1>
          tpu.vector_store %arg13[%swap3A_246], %get3A_211 masked %eq3A_231 {strides = array<i32>} : memref<32xf32, #tpu.memory_space<vmem>>, vector<16xf32>, vector<16xi1>
          %swap3A_248 = arith.constant 0 : index
          %swap3A_249 = tpu.vector_load %arg14[%swap3A_248] masked %eq3A_231 {strides = array<i32>} : memref<32xi32, #tpu.memory_space<vmem>>, vector<16xi32>, vector<16xi1>
          tpu.vector_store %arg14[%swap3A_248], %get3A_215 masked %eq3A_231 {strides = array<i32>} : memref<32xi32, #tpu.memory_space<vmem>>, vector<16xi32>, vector<16xi1>
          %iota3A_250 = tpu.iota {dimensions = array<i32: 0>} : vector<16xi32>
          %lt3A_251 = vector.broadcast %min3A_241 : i32 to vector<16xi32>
          %lt3A_252 = arith.cmpi slt, %iota3A_250, %lt3A_251 : vector<16xi32>
          %get3A_253 = arith.constant 0 : index
          %get3A_254 = tpu.vector_load %arg13[%get3A_253] {strides = array<i32>} : memref<32xf32, #tpu.memory_space<vmem>>, vector<16xf32>,
          %swap3A_255 = arith.index_cast %add3A_229 : i32 to index
          %swap3A_256 = tpu.vector_load %arg11[%swap3A_255] masked %lt3A_252 {strides = array<i32>} : memref<64xf32, #tpu.memory_space<vmem>>, vector<16xf32>, vector<16xi1>
          tpu.vector_store %arg11[%swap3A_255], %get3A_254 masked %lt3A_252 {strides = array<i32>} : memref<64xf32, #tpu.memory_space<vmem>>, vector<16xf32>, vector<16xi1>
          %get3A_257 = arith.constant 0 : index
          %get3A_258 = tpu.vector_load %arg14[%get3A_257] {strides = array<i32>} : memref<32xi32, #tpu.memory_space<vmem>>, vector<16xi32>,
          %swap3A_259 = arith.index_cast %add3A_229 : i32 to index
          %swap3A_260 = tpu.vector_load %arg12[%swap3A_259] masked %lt3A_252 {strides = array<i32>} : memref<64xi32, #tpu.memory_space<vmem>>, vector<16xi32>, vector<16xi1>
          tpu.vector_store %arg12[%swap3A_259], %get3A_258 masked %lt3A_252 {strides = array<i32>} : memref<64xi32, #tpu.memory_space<vmem>>, vector<16xi32>, vector<16xi1>
        } else {
        }
        %add3A_244 = arith.addi %add3A_229, %min3A_241 : i32
        %sub3A_245 = arith.subi %while3A_203, %min3A_241 : i32
        scf.yield %add3A_244, %sub3A_245 : i32, i32
      }
      %while3A_119 = arith.constant 1 : i32
      %while3A_120:2 = scf.for %while3A_201 = %while3A_116 to %while3A_112 step %while3A_119 iter_args(%while3A_202 = %while3A_118#0, %while3A_203 = %while3A_118#1) -> (i32, i32)  : i32 {
        %mul3A_204 = arith.constant 16 : i32
        %mul3A_205 = arith.muli %while3A_201, %mul3A_204 : i32
        %get3A_206 = arith.index_cast %mul3A_205 : i32 to index
        %get3A_207 = tpu.vector_load %arg8[%get3A_206] {strides = array<i32>} : memref<4128xi32, #tpu.memory_space<vmem>>, vector<16xi32>,
        %mul3A_208 = arith.constant 16 : i32
        %mul3A_209 = arith.muli %while3A_201, %mul3A_208 : i32
        %get3A_210 = arith.index_cast %mul3A_209 : i32 to index
        %get3A_211 = tpu.vector_load %arg9[%get3A_210] {strides = array<i32>} : memref<4128xf32, #tpu.memory_space<vmem>>, vector<16xf32>,
        %mul3A_212 = arith.constant 16 : i32
        %mul3A_213 = arith.muli %while3A_201, %mul3A_212 : i32
        %get3A_214 = arith.index_cast %mul3A_213 : i32 to index
        %get3A_215 = tpu.vector_load %arg10[%get3A_214] {strides = array<i32>} : memref<4128xi32, #tpu.memory_space<vmem>>, vector<16xi32>,
        %lt3A = vector.broadcast %xor3A_85 : i32 to vector<16xi32>
        %lt3A_216 = arith.cmpi slt, %get3A_207, %lt3A : vector<16xi32>
        %swap3A_217 = arith.index_cast %while3A_202 : i32 to index
        %swap3A_218 = tpu.vector_load %arg11[%swap3A_217] masked %lt3A_216 {strides = array<i32>} : memref<64xf32, #tpu.memory_space<vmem>>, vector<16xf32>, vector<16xi1>
        tpu.vector_store %arg11[%swap3A_217], %get3A_211 masked %lt3A_216 {strides = array<i32>} : memref<64xf32, #tpu.memory_space<vmem>>, vector<16xf32>, vector<16xi1>
        %swap3A_219 = arith.index_cast %while3A_202 : i32 to index
        %swap3A_220 = tpu.vector_load %arg12[%swap3A_219] masked %lt3A_216 {strides = array<i32>} : memref<64xi32, #tpu.memory_space<vmem>>, vector<16xi32>, vector<16xi1>
        tpu.vector_store %arg12[%swap3A_219], %get3A_215 masked %lt3A_216 {strides = array<i32>} : memref<64xi32, #tpu.memory_space<vmem>>, vector<16xi32>, vector<16xi1>
        %all_reduce_population_count3A = tpu.all_reduce %lt3A_216 {dim = 0 : i64, kind = #tpu.reduction_kind<sum>} : vector<16xi1> -> vector<16xi32>
        %reduce_max3A_221 = arith.constant true
        %reduce_max3A_222 = vector.broadcast %reduce_max3A_221 : i1 to vector<16xi1>
        %reduce_max3A_223 = arith.constant -2147483648 : i32
        %reduce_max3A_224 = vector.broadcast %reduce_max3A_223 : i32 to vector<16xi32>
        %reduce_max3A_225 = arith.xori %all_reduce_population_count3A, %reduce_max3A_224 : vector<16xi32>
        %reduce_max3A_226 = tpu.scan <max>, %reduce_max3A_225 masked %reduce_max3A_222 : vector<16xi32>, vector<16xi1> -> vector<16xi32>
        %reduce_max3A_227 = arith.xori %reduce_max3A_226, %reduce_max3A_224 : vector<16xi32>
        %reduce_max3A_228 = vector.extract %reduce_max3A_227[15] : i32 from vector<16xi32>
        %add3A_229 = arith.addi %while3A_202, %reduce_max3A_228 : i32
        %eq3A_230 = vector.broadcast %xor3A_85 : i32 to vector<16xi32>
        %eq3A_231 = arith.cmpi eq, %get3A_207, %eq3A_230 : vector<16xi32>
        %all_reduce_population_count3A_232 = tpu.all_reduce %eq3A_231 {dim = 0 : i64, kind = #tpu.reduction_kind<sum>} : vector<16xi1> -> vector<16xi32>
        %reduce_max3A_233 = arith.constant true
        %reduce_max3A_234 = vector.broadcast %reduce_max3A_233 : i1 to vector<16xi1>
        %reduce_max3A_235 = arith.constant -2147483648 : i32
        %reduce_max3A_236 = vector.broadcast %reduce_max3A_235 : i32 to vector<16xi32>
        %reduce_max3A_237 = arith.xori %all_reduce_population_count3A_232, %reduce_max3A_236 : vector<16xi32>
        %reduce_max3A_238 = tpu.scan <max>, %reduce_max3A_237 masked %reduce_max3A_234 : vector<16xi32>, vector<16xi1> -> vector<16xi32>
        %reduce_max3A_239 = arith.xori %reduce_max3A_238, %reduce_max3A_236 : vector<16xi32>
        %reduce_max3A_240 = vector.extract %reduce_max3A_239[15] : i32 from vector<16xi32>
        %min3A_241 = arith.minsi %while3A_203, %reduce_max3A_240 : i32
        %gt3A = arith.constant 0 : i32
        %gt3A_242 = arith.cmpi sgt, %min3A_241, %gt3A : i32
        %convert_element_type3A = arith.extui %gt3A_242 : i1 to i32
        %cond3A = arith.constant 0 : i32
        %cond3A_243 = arith.cmpi ne, %convert_element_type3A, %cond3A : i32
        scf.if %cond3A_243 {
          %swap3A_246 = arith.constant 0 : index
          %swap3A_247 = tpu.vector_load %arg13[%swap3A_246] masked %eq3A_231 {strides = array<i32>} : memref<32xf32, #tpu.memory_space<vmem>>, vector<16xf32>, vector<16xi1>
          tpu.vector_store %arg13[%swap3A_246], %get3A_211 masked %eq3A_231 {strides = array<i32>} : memref<32xf32, #tpu.memory_space<vmem>>, vector<16xf32>, vector<16xi1>
          %swap3A_248 = arith.constant 0 : index
          %swap3A_249 = tpu.vector_load %arg14[%swap3A_248] masked %eq3A_231 {strides = array<i32>} : memref<32xi32, #tpu.memory_space<vmem>>, vector<16xi32>, vector<16xi1>
          tpu.vector_store %arg14[%swap3A_248], %get3A_215 masked %eq3A_231 {strides = array<i32>} : memref<32xi32, #tpu.memory_space<vmem>>, vector<16xi32>, vector<16xi1>
          %iota3A_250 = tpu.iota {dimensions = array<i32: 0>} : vector<16xi32>
          %lt3A_251 = vector.broadcast %min3A_241 : i32 to vector<16xi32>
          %lt3A_252 = arith.cmpi slt, %iota3A_250, %lt3A_251 : vector<16xi32>
          %get3A_253 = arith.constant 0 : index
          %get3A_254 = tpu.vector_load %arg13[%get3A_253] {strides = array<i32>} : memref<32xf32, #tpu.memory_space<vmem>>, vector<16xf32>,
          %swap3A_255 = arith.index_cast %add3A_229 : i32 to index
          %swap3A_256 = tpu.vector_load %arg11[%swap3A_255] masked %lt3A_252 {strides = array<i32>} : memref<64xf32, #tpu.memory_space<vmem>>, vector<16xf32>, vector<16xi1>
          tpu.vector_store %arg11[%swap3A_255], %get3A_254 masked %lt3A_252 {strides = array<i32>} : memref<64xf32, #tpu.memory_space<vmem>>, vector<16xf32>, vector<16xi1>
          %get3A_257 = arith.constant 0 : index
          %get3A_258 = tpu.vector_load %arg14[%get3A_257] {strides = array<i32>} : memref<32xi32, #tpu.memory_space<vmem>>, vector<16xi32>,
          %swap3A_259 = arith.index_cast %add3A_229 : i32 to index
          %swap3A_260 = tpu.vector_load %arg12[%swap3A_259] masked %lt3A_252 {strides = array<i32>} : memref<64xi32, #tpu.memory_space<vmem>>, vector<16xi32>, vector<16xi1>
          tpu.vector_store %arg12[%swap3A_259], %get3A_258 masked %lt3A_252 {strides = array<i32>} : memref<64xi32, #tpu.memory_space<vmem>>, vector<16xi32>, vector<16xi1>
        } else {
        }
        %add3A_244 = arith.addi %add3A_229, %min3A_241 : i32
        %sub3A_245 = arith.subi %while3A_203, %min3A_241 : i32
        scf.yield %add3A_244, %sub3A_245 : i32, i32
      }
      %get3A_121 = arith.constant 0 : index
      %get3A_122 = tpu.vector_load %arg11[%get3A_121] {strides = array<i32>} : memref<64xf32, #tpu.memory_space<vmem>>, vector<16xf32>,
      %max3A = arith.constant 0.000000e+00 : f32
      %max3A_123 = vector.broadcast %max3A : f32 to vector<16xf32>
      %max3A_124 = arith.maximumf %get3A_122, %max3A_123 : vector<16xf32>
      %get3A_125 = arith.constant 16 : index
      %get3A_126 = tpu.vector_load %arg11[%get3A_125] {strides = array<i32>} : memref<64xf32, #tpu.memory_space<vmem>>, vector<16xf32>,
      %max3A_127 = arith.constant 0.000000e+00 : f32
      %max3A_128 = vector.broadcast %max3A_127 : f32 to vector<16xf32>
      %max3A_129 = arith.maximumf %get3A_126, %max3A_128 : vector<16xf32>
      %get3A_130 = arith.constant 24 : index
      %get3A_131 = tpu.vector_load %arg11[%get3A_130] {strides = array<i32>} : memref<64xf32, #tpu.memory_space<vmem>>, vector<16xf32>,
      %max3A_132 = arith.constant 0.000000e+00 : f32
      %max3A_133 = vector.broadcast %max3A_132 : f32 to vector<16xf32>
      %max3A_134 = arith.maximumf %get3A_131, %max3A_133 : vector<16xf32>
      %mul3A_135 = arith.constant 40 : i32
      %mul3A_136 = arith.muli %while3A_20, %mul3A_135 : i32
      %add3A_137 = arith.constant 0 : i32
      %add3A_138 = arith.addi %mul3A_136, %add3A_137 : i32
      %swap3A_139 = arith.index_cast %add3A_138 : i32 to index
      %swap3A_140 = tpu.vector_load %arg17[%swap3A_139] {strides = array<i32>} : memref<12800xf32, #tpu.memory_space<vmem>>, vector<16xf32>,
      tpu.vector_store %arg17[%swap3A_139], %max3A_124 {strides = array<i32>} : memref<12800xf32, #tpu.memory_space<vmem>>, vector<16xf32>,
      %mul3A_141 = arith.constant 40 : i32
      %mul3A_142 = arith.muli %while3A_20, %mul3A_141 : i32
      %add3A_143 = arith.constant 16 : i32
      %add3A_144 = arith.addi %mul3A_142, %add3A_143 : i32
      %swap3A_145 = arith.index_cast %add3A_144 : i32 to index
      %swap3A_146 = tpu.vector_load %arg17[%swap3A_145] {strides = array<i32>} : memref<12800xf32, #tpu.memory_space<vmem>>, vector<16xf32>,
      tpu.vector_store %arg17[%swap3A_145], %max3A_129 {strides = array<i32>} : memref<12800xf32, #tpu.memory_space<vmem>>, vector<16xf32>,
      %mul3A_147 = arith.constant 40 : i32
      %mul3A_148 = arith.muli %while3A_20, %mul3A_147 : i32
      %add3A_149 = arith.constant 24 : i32
      %add3A_150 = arith.addi %mul3A_148, %add3A_149 : i32
      %swap3A_151 = arith.index_cast %add3A_150 : i32 to index
      %swap3A_152 = tpu.vector_load %arg17[%swap3A_151] {strides = array<i32>} : memref<12800xf32, #tpu.memory_space<vmem>>, vector<16xf32>,
      tpu.vector_store %arg17[%swap3A_151], %max3A_134 {strides = array<i32>} : memref<12800xf32, #tpu.memory_space<vmem>>, vector<16xf32>,
      %get3A_153 = arith.constant 0 : index
      %get3A_154 = tpu.vector_load %arg12[%get3A_153] {strides = array<i32>} : memref<64xi32, #tpu.memory_space<vmem>>, vector<16xi32>,
      %mul3A_155 = arith.constant 40 : i32
      %mul3A_156 = arith.muli %while3A_20, %mul3A_155 : i32
      %add3A_157 = arith.constant 0 : i32
      %add3A_158 = arith.addi %mul3A_156, %add3A_157 : i32
      %swap3A_159 = arith.index_cast %add3A_158 : i32 to index
      %swap3A_160 = tpu.vector_load %arg18[%swap3A_159] {strides = array<i32>} : memref<12800xi32, #tpu.memory_space<vmem>>, vector<16xi32>,
      tpu.vector_store %arg18[%swap3A_159], %get3A_154 {strides = array<i32>} : memref<12800xi32, #tpu.memory_space<vmem>>, vector<16xi32>,
      %get3A_161 = arith.constant 16 : index
      %get3A_162 = tpu.vector_load %arg12[%get3A_161] {strides = array<i32>} : memref<64xi32, #tpu.memory_space<vmem>>, vector<16xi32>,
      %mul3A_163 = arith.constant 40 : i32
      %mul3A_164 = arith.muli %while3A_20, %mul3A_163 : i32
      %add3A_165 = arith.constant 16 : i32
      %add3A_166 = arith.addi %mul3A_164, %add3A_165 : i32
      %swap3A_167 = arith.index_cast %add3A_166 : i32 to index
      %swap3A_168 = tpu.vector_load %arg18[%swap3A_167] {strides = array<i32>} : memref<12800xi32, #tpu.memory_space<vmem>>, vector<16xi32>,
      tpu.vector_store %arg18[%swap3A_167], %get3A_162 {strides = array<i32>} : memref<12800xi32, #tpu.memory_space<vmem>>, vector<16xi32>,
      %get3A_169 = arith.constant 24 : index
      %get3A_170 = tpu.vector_load %arg12[%get3A_169] {strides = array<i32>} : memref<64xi32, #tpu.memory_space<vmem>>, vector<16xi32>,
      %mul3A_171 = arith.constant 40 : i32
      %mul3A_172 = arith.muli %while3A_20, %mul3A_171 : i32
      %add3A_173 = arith.constant 24 : i32
      %add3A_174 = arith.addi %mul3A_172, %add3A_173 : i32
      %swap3A_175 = arith.index_cast %add3A_174 : i32 to index
      %swap3A_176 = tpu.vector_load %arg18[%swap3A_175] {strides = array<i32>} : memref<12800xi32, #tpu.memory_space<vmem>>, vector<16xi32>,
      tpu.vector_store %arg18[%swap3A_175], %get3A_170 {strides = array<i32>} : memref<12800xi32, #tpu.memory_space<vmem>>, vector<16xi32>,
      %get3A_177 = arith.constant 0 : index
      %get3A_178 = tpu.vector_load %arg11[%get3A_177] {strides = array<i32>} : memref<64xf32, #tpu.memory_space<vmem>>, vector<16xf32>,
      %reduce_max3A_179 = arith.constant true
      %reduce_max3A_180 = vector.broadcast %reduce_max3A_179 : i1 to vector<16xi1>
      %reduce_max3A_181 = tpu.scan <max>, %get3A_178 masked %reduce_max3A_180 : vector<16xf32>, vector<16xi1> -> vector<16xf32>
      %reduce_max3A_182 = vector.extract %reduce_max3A_181[15] : f32 from vector<16xf32>
      %get3A_183 = arith.constant 16 : index
      %get3A_184 = tpu.vector_load %arg11[%get3A_183] {strides = array<i32>} : memref<64xf32, #tpu.memory_space<vmem>>, vector<16xf32>,
      %reduce_max3A_185 = arith.constant true
      %reduce_max3A_186 = vector.broadcast %reduce_max3A_185 : i1 to vector<16xi1>
      %reduce_max3A_187 = tpu.scan <max>, %get3A_184 masked %reduce_max3A_186 : vector<16xf32>, vector<16xi1> -> vector<16xf32>
      %reduce_max3A_188 = vector.extract %reduce_max3A_187[15] : f32 from vector<16xf32>
      %get3A_189 = arith.constant 24 : index
      %get3A_190 = tpu.vector_load %arg11[%get3A_189] {strides = array<i32>} : memref<64xf32, #tpu.memory_space<vmem>>, vector<16xf32>,
      %reduce_max3A_191 = arith.constant true
      %reduce_max3A_192 = vector.broadcast %reduce_max3A_191 : i1 to vector<16xi1>
      %reduce_max3A_193 = tpu.scan <max>, %get3A_190 masked %reduce_max3A_192 : vector<16xf32>, vector<16xi1> -> vector<16xf32>
      %reduce_max3A_194 = vector.extract %reduce_max3A_193[15] : f32 from vector<16xf32>
      %max3A_195 = arith.maximumf %reduce_max3A_188, %reduce_max3A_194 : f32
      %max3A_196 = arith.maximumf %reduce_max3A_182, %max3A_195 : f32
      %mul3A_197 = arith.constant 4.000000e+00 : f32
      %mul3A_198 = arith.mulf %max3A_196, %mul3A_197 : f32
      %add3A_199 = arith.constant 0.00999999977 : f32
      %add3A_200 = arith.addf %mul3A_198, %add3A_199 : f32
      scf.yield %add3A_200 : f32
    }
    %mul3A_16 = arith.constant 40 : i32
    %mul3A_17 = arith.muli %mul3A_2, %mul3A_16 : i32
    "tpu.region"() ({
      %run_scoped3A = tpu.sem_alloc : memref<!tpu.dma_semaphore, #tpu.memory_space<semaphore_mem>>
      %dma_start3A = tpu.memref_slice %arg5[%mul3A_17] : memref<409600xf32, #tpu.memory_space<hbm>> -> memref<12800xf32, #tpu.memory_space<hbm>>
      %dma_start3A_20 = tpu.memref_slice %arg5[%mul3A_17] : memref<409600xf32, #tpu.memory_space<hbm>> -> memref<12800xf32, #tpu.memory_space<hbm>>
      tpu.enqueue_dma source(%arg17 : memref<12800xf32, #tpu.memory_space<vmem>>) target(%dma_start3A_20 : memref<12800xf32, #tpu.memory_space<hbm>>) target_semaphore(%run_scoped3A : memref<!tpu.dma_semaphore, #tpu.memory_space<semaphore_mem>>)
      %dma_wait3A = tpu.memref_slice %arg5[%mul3A_17] : memref<409600xf32, #tpu.memory_space<hbm>> -> memref<12800xf32, #tpu.memory_space<hbm>>
      %dma_wait3A_21 = tpu.memref_slice %arg5[%mul3A_17] : memref<409600xf32, #tpu.memory_space<hbm>> -> memref<12800xf32, #tpu.memory_space<hbm>>
      tpu.wait_dma2 semaphore(%run_scoped3A : memref<!tpu.dma_semaphore, #tpu.memory_space<semaphore_mem>>) src(%arg17 : memref<12800xf32, #tpu.memory_space<vmem>>) dst(%dma_wait3A_21 : memref<12800xf32, #tpu.memory_space<hbm>>)
      tpu.yield
    }) : () -> ()
    %mul3A_18 = arith.constant 40 : i32
    %mul3A_19 = arith.muli %mul3A_2, %mul3A_18 : i32
    "tpu.region"() ({
      %run_scoped3A = tpu.sem_alloc : memref<!tpu.dma_semaphore, #tpu.memory_space<semaphore_mem>>
      %dma_start3A = tpu.memref_slice %arg6[%mul3A_19] : memref<409600xi32, #tpu.memory_space<hbm>> -> memref<12800xi32, #tpu.memory_space<hbm>>
      %dma_start3A_20 = tpu.memref_slice %arg6[%mul3A_19] : memref<409600xi32, #tpu.memory_space<hbm>> -> memref<12800xi32, #tpu.memory_space<hbm>>
      tpu.enqueue_dma source(%arg18 : memref<12800xi32, #tpu.memory_space<vmem>>) target(%dma_start3A_20 : memref<12800xi32, #tpu.memory_space<hbm>>) target_semaphore(%run_scoped3A : memref<!tpu.dma_semaphore, #tpu.memory_space<semaphore_mem>>)
      %dma_wait3A = tpu.memref_slice %arg6[%mul3A_19] : memref<409600xi32, #tpu.memory_space<hbm>> -> memref<12800xi32, #tpu.memory_space<hbm>>
      %dma_wait3A_21 = tpu.memref_slice %arg6[%mul3A_19] : memref<409600xi32, #tpu.memory_space<hbm>> -> memref<12800xi32, #tpu.memory_space<hbm>>
      tpu.wait_dma2 semaphore(%run_scoped3A : memref<!tpu.dma_semaphore, #tpu.memory_space<semaphore_mem>>) src(%arg18 : memref<12800xi32, #tpu.memory_space<vmem>>) dst(%dma_wait3A_21 : memref<12800xi32, #tpu.memory_space<hbm>>)
      tpu.yield
    }) : () -> ()
    return
  }
}

module attributes {stable_mosaic.version = 14 : i64} {
  func.func @_dist_body(%arg0: i32, %arg1: memref<200x3xf32, #tpu.memory_space<vmem>>, %arg2: memref<200x1xf32, #tpu.memory_space<vmem>>, %arg3: memref<10000x3xf32, #tpu.memory_space<vmem>>, %arg4: memref<1x10000xf32, #tpu.memory_space<vmem>>, %arg5: memref<200x10000xf32, #tpu.memory_space<vmem>>) attributes {dimension_semantics = [#tpu.dimension_semantics<arbitrary>], iteration_bounds = array<i64: 50>, scalar_prefetch = 0 : i64, scratch_operands = 0 : i64, tpu.core_type = #tpu.core_type<tc>, window_params = [{transform_indices = @transform_0, window_bounds = array<i64: 200, 3>}, {transform_indices = @transform_1, window_bounds = array<i64: 200, 1>}, {pipeline_mode = #tpu.pipeline_mode<synchronous>, transform_indices = @transform_2, window_bounds = array<i64: 10000, 3>}, {pipeline_mode = #tpu.pipeline_mode<synchronous>, transform_indices = @transform_3, window_bounds = array<i64: 1, 10000>}, {transform_indices = @transform_4, window_bounds = array<i64: 200, 10000>}]} {
    %get3A = arith.constant 0 : index
    %get3A_0 = arith.constant 0 : index
    %get3A_1 = vector.load %arg1[%get3A, %get3A_0] : memref<200x3xf32, #tpu.memory_space<vmem>>, vector<200x3xf32>
    %get3A_2 = arith.constant 0 : index
    %get3A_3 = arith.constant 0 : index
    %get3A_4 = vector.load %arg3[%get3A_2, %get3A_3] : memref<10000x3xf32, #tpu.memory_space<vmem>>, vector<10000x3xf32>
    %dot_general3A = arith.constant dense<0.000000e+00> : vector<200x10000xf32>
    %dot_general3A_5 = tpu.matmul %get3A_1, %get3A_4, %dot_general3A {dimension_numbers = #tpu.dot_dimension_numbers<[1], [1], [0], [0], [0, 0, 1, 0], [], []>, transpose_lhs_hint = false} : vector<200x3xf32>, vector<10000x3xf32>, vector<200x10000xf32> -> vector<200x10000xf32>
    %get3A_6 = arith.constant 0 : index
    %get3A_7 = arith.constant 0 : index
    %get3A_8 = vector.load %arg2[%get3A_6, %get3A_7] : memref<200x1xf32, #tpu.memory_space<vmem>>, vector<200x1xf32>
    %mul3A = arith.constant 2.000000e+00 : f32
    %mul3A_9 = vector.broadcast %mul3A : f32 to vector<200x10000xf32>
    %mul3A_10 = arith.mulf %mul3A_9, %dot_general3A_5 : vector<200x10000xf32>
    %sub3A = vector.broadcast %get3A_8 : vector<200x1xf32> to vector<200x10000xf32>
    %sub3A_11 = arith.subf %sub3A, %mul3A_10 : vector<200x10000xf32>
    %get3A_12 = arith.constant 0 : index
    %get3A_13 = arith.constant 0 : index
    %get3A_14 = vector.load %arg4[%get3A_12, %get3A_13] : memref<1x10000xf32, #tpu.memory_space<vmem>>, vector<1x10000xf32>
    %add3A = vector.broadcast %get3A_14 : vector<1x10000xf32> to vector<200x10000xf32>
    %add3A_15 = arith.addf %sub3A_11, %add3A : vector<200x10000xf32>
    %swap3A = arith.constant 0 : index
    %swap3A_16 = arith.constant 0 : index
    %swap3A_17 = vector.load %arg5[%swap3A, %swap3A_16] : memref<200x10000xf32, #tpu.memory_space<vmem>>, vector<200x10000xf32>
    tpu.vector_store %arg5[%swap3A, %swap3A_16], %add3A_15 {strides = array<i32>} : memref<200x10000xf32, #tpu.memory_space<vmem>>, vector<200x10000xf32>,
    return
  }
  func.func @transform_0(%arg0: i32) -> (i32, i32) {
    %c0_i32 = arith.constant 0 : i32
    %c0_i32_0 = arith.constant 0 : i32
    return %arg0, %c0_i32 : i32, i32
  }
  func.func @transform_1(%arg0: i32) -> (i32, i32) {
    %c0_i32 = arith.constant 0 : i32
    %c0_i32_0 = arith.constant 0 : i32
    return %arg0, %c0_i32 : i32, i32
  }
  func.func @transform_2(%arg0: i32) -> (i32, i32) {
    %c0_i32 = arith.constant 0 : i32
    %c0_i32_0 = arith.constant 0 : i32
    %c0_i32_1 = arith.constant 0 : i32
    return %c0_i32, %c0_i32_0 : i32, i32
  }
  func.func @transform_3(%arg0: i32) -> (i32, i32) {
    %c0_i32 = arith.constant 0 : i32
    %c0_i32_0 = arith.constant 0 : i32
    %c0_i32_1 = arith.constant 0 : i32
    return %c0_i32, %c0_i32_0 : i32, i32
  }
  func.func @transform_4(%arg0: i32) -> (i32, i32) {
    %c0_i32 = arith.constant 0 : i32
    %c0_i32_0 = arith.constant 0 : i32
    return %arg0, %c0_i32 : i32, i32
  }
}

module attributes {stable_mosaic.version = 14 : i64} {
  func.func @_post_body(%arg0: memref<10000x32xf32, #tpu.memory_space<vmem>>, %arg1: memref<10000x8xf32, #tpu.memory_space<vmem>>, %arg2: memref<10000x32xf32, #tpu.memory_space<vmem>>, %arg3: memref<10000x32xf32, #tpu.memory_space<vmem>>, %arg4: memref<10000x40xf32, #tpu.memory_space<vmem>>, %arg5: memref<32x32xf32, #tpu.memory_space<vmem>>, %arg6: memref<32x32xf32, #tpu.memory_space<vmem>>, %arg7: memref<32x32xf32, #tpu.memory_space<vmem>>, %arg8: memref<1x32xf32, #tpu.memory_space<vmem>>, %arg9: memref<32x32xf32, #tpu.memory_space<vmem>>, %arg10: memref<32x8xf32, #tpu.memory_space<vmem>>, %arg11: memref<32x32xf32, #tpu.memory_space<vmem>>, %arg12: memref<1x32xf32, #tpu.memory_space<vmem>>, %arg13: memref<32x32xf32, #tpu.memory_space<vmem>>, %arg14: memref<1x32xf32, #tpu.memory_space<vmem>>, %arg15: memref<1x32xf32, #tpu.memory_space<vmem>>, %arg16: memref<1x32xf32, #tpu.memory_space<vmem>>, %arg17: memref<10000x32xf32, #tpu.memory_space<vmem>>, %arg18: memref<1x1xf32, #tpu.memory_space<vmem>>) attributes {dimension_semantics = [], scalar_prefetch = 0 : i64, scratch_operands = 0 : i64, tpu.core_type = #tpu.core_type<tc>} {
    %get3A = arith.constant 0 : index
    %get3A_0 = arith.constant 0 : index
    %get3A_1 = vector.load %arg0[%get3A, %get3A_0] : memref<10000x32xf32, #tpu.memory_space<vmem>>, vector<10000x32xf32>
    %get3A_2 = arith.constant 0 : index
    %get3A_3 = arith.constant 0 : index
    %get3A_4 = vector.load %arg5[%get3A_2, %get3A_3] : memref<32x32xf32, #tpu.memory_space<vmem>>, vector<32x32xf32>
    %dot_general3A = arith.constant dense<0.000000e+00> : vector<10000x32xf32>
    %dot_general3A_5 = tpu.matmul %get3A_1, %get3A_4, %dot_general3A {dimension_numbers = #tpu.dot_dimension_numbers<[1], [1], [0], [0], [0, 0, 1, 0], [], []>, transpose_lhs_hint = false} : vector<10000x32xf32>, vector<32x32xf32>, vector<10000x32xf32> -> vector<10000x32xf32>
    %get3A_6 = arith.constant 0 : index
    %get3A_7 = arith.constant 0 : index
    %get3A_8 = vector.load %arg2[%get3A_6, %get3A_7] : memref<10000x32xf32, #tpu.memory_space<vmem>>, vector<10000x32xf32>
    %get3A_9 = arith.constant 0 : index
    %get3A_10 = arith.constant 0 : index
    %get3A_11 = vector.load %arg6[%get3A_9, %get3A_10] : memref<32x32xf32, #tpu.memory_space<vmem>>, vector<32x32xf32>
    %dot_general3A_12 = arith.constant dense<0.000000e+00> : vector<10000x32xf32>
    %dot_general3A_13 = tpu.matmul %get3A_8, %get3A_11, %dot_general3A_12 {dimension_numbers = #tpu.dot_dimension_numbers<[1], [1], [0], [0], [0, 0, 1, 0], [], []>, transpose_lhs_hint = false} : vector<10000x32xf32>, vector<32x32xf32>, vector<10000x32xf32> -> vector<10000x32xf32>
    %add3A = arith.addf %dot_general3A_5, %dot_general3A_13 : vector<10000x32xf32>
    %get3A_14 = arith.constant 0 : index
    %get3A_15 = arith.constant 0 : index
    %get3A_16 = vector.load %arg3[%get3A_14, %get3A_15] : memref<10000x32xf32, #tpu.memory_space<vmem>>, vector<10000x32xf32>
    %get3A_17 = arith.constant 0 : index
    %get3A_18 = arith.constant 0 : index
    %get3A_19 = vector.load %arg7[%get3A_17, %get3A_18] : memref<32x32xf32, #tpu.memory_space<vmem>>, vector<32x32xf32>
    %dot_general3A_20 = arith.constant dense<0.000000e+00> : vector<10000x32xf32>
    %dot_general3A_21 = tpu.matmul %get3A_16, %get3A_19, %dot_general3A_20 {dimension_numbers = #tpu.dot_dimension_numbers<[1], [1], [0], [0], [0, 0, 1, 0], [], []>, transpose_lhs_hint = false} : vector<10000x32xf32>, vector<32x32xf32>, vector<10000x32xf32> -> vector<10000x32xf32>
    %add3A_22 = arith.addf %add3A, %dot_general3A_21 : vector<10000x32xf32>
    %get3A_23 = arith.constant 0 : index
    %get3A_24 = arith.constant 0 : index
    %get3A_25 = vector.load %arg8[%get3A_23, %get3A_24] : memref<1x32xf32, #tpu.memory_space<vmem>>, vector<1x32xf32>
    %add3A_26 = vector.broadcast %get3A_25 : vector<1x32xf32> to vector<10000x32xf32>
    %add3A_27 = arith.addf %add3A_22, %add3A_26 : vector<10000x32xf32>
    %get3A_28 = arith.constant 0 : index
    %get3A_29 = arith.constant 0 : index
    %get3A_30 = vector.load %arg9[%get3A_28, %get3A_29] : memref<32x32xf32, #tpu.memory_space<vmem>>, vector<32x32xf32>
    %dot_general3A_31 = arith.constant dense<0.000000e+00> : vector<10000x32xf32>
    %dot_general3A_32 = tpu.matmul %add3A_27, %get3A_30, %dot_general3A_31 {dimension_numbers = #tpu.dot_dimension_numbers<[1], [1], [0], [0], [0, 0, 1, 0], [], []>, transpose_lhs_hint = false} : vector<10000x32xf32>, vector<32x32xf32>, vector<10000x32xf32> -> vector<10000x32xf32>
    %get3A_33 = arith.constant 0 : index
    %get3A_34 = arith.constant 0 : index
    %get3A_35 = vector.load %arg1[%get3A_33, %get3A_34] : memref<10000x8xf32, #tpu.memory_space<vmem>>, vector<10000x8xf32>
    %get3A_36 = arith.constant 0 : index
    %get3A_37 = arith.constant 0 : index
    %get3A_38 = vector.load %arg10[%get3A_36, %get3A_37] : memref<32x8xf32, #tpu.memory_space<vmem>>, vector<32x8xf32>
    %dot_general3A_39 = arith.constant dense<0.000000e+00> : vector<10000x32xf32>
    %dot_general3A_40 = tpu.matmul %get3A_35, %get3A_38, %dot_general3A_39 {dimension_numbers = #tpu.dot_dimension_numbers<[1], [1], [0], [0], [0, 0, 1, 0], [], []>, transpose_lhs_hint = false} : vector<10000x8xf32>, vector<32x8xf32>, vector<10000x32xf32> -> vector<10000x32xf32>
    %add3A_41 = arith.addf %dot_general3A_32, %dot_general3A_40 : vector<10000x32xf32>
    %get3A_42 = arith.constant 0 : index
    %get3A_43 = arith.constant 0 : index
    %get3A_44 = vector.load %arg11[%get3A_42, %get3A_43] : memref<32x32xf32, #tpu.memory_space<vmem>>, vector<32x32xf32>
    %dot_general3A_45 = arith.constant dense<0.000000e+00> : vector<10000x32xf32>
    %dot_general3A_46 = tpu.matmul %get3A_1, %get3A_44, %dot_general3A_45 {dimension_numbers = #tpu.dot_dimension_numbers<[1], [1], [0], [0], [0, 0, 1, 0], [], []>, transpose_lhs_hint = false} : vector<10000x32xf32>, vector<32x32xf32>, vector<10000x32xf32> -> vector<10000x32xf32>
    %add3A_47 = arith.addf %add3A_41, %dot_general3A_46 : vector<10000x32xf32>
    %get3A_48 = arith.constant 0 : index
    %get3A_49 = arith.constant 0 : index
    %get3A_50 = vector.load %arg12[%get3A_48, %get3A_49] : memref<1x32xf32, #tpu.memory_space<vmem>>, vector<1x32xf32>
    %add3A_51 = vector.broadcast %get3A_50 : vector<1x32xf32> to vector<10000x32xf32>
    %add3A_52 = arith.addf %add3A_47, %add3A_51 : vector<10000x32xf32>
    %gt3A = arith.constant 0.000000e+00 : f32
    %gt3A_53 = vector.broadcast %gt3A : f32 to vector<10000x32xf32>
    %gt3A_54 = arith.cmpf ogt, %add3A_52, %gt3A_53 : vector<10000x32xf32>
    %min3A = arith.constant 0.000000e+00 : f32
    %min3A_55 = vector.broadcast %min3A : f32 to vector<10000x32xf32>
    %min3A_56 = arith.minimumf %add3A_52, %min3A_55 : vector<10000x32xf32>
    %exp3A = math.exp %min3A_56 : vector<10000x32xf32>
    %sub3A = arith.constant 1.000000e+00 : f32
    %sub3A_57 = vector.broadcast %sub3A : f32 to vector<10000x32xf32>
    %sub3A_58 = arith.subf %exp3A, %sub3A_57 : vector<10000x32xf32>
    %select_n3A = arith.select %gt3A_54, %add3A_52, %sub3A_58 : vector<10000x32xi1>, vector<10000x32xf32>
    %get3A_59 = arith.constant 0 : index
    %get3A_60 = arith.constant 0 : index
    %get3A_61 = vector.load %arg13[%get3A_59, %get3A_60] : memref<32x32xf32, #tpu.memory_space<vmem>>, vector<32x32xf32>
    %dot_general3A_62 = arith.constant dense<0.000000e+00> : vector<10000x32xf32>
    %dot_general3A_63 = tpu.matmul %select_n3A, %get3A_61, %dot_general3A_62 {dimension_numbers = #tpu.dot_dimension_numbers<[1], [1], [0], [0], [0, 0, 1, 0], [], []>, transpose_lhs_hint = false} : vector<10000x32xf32>, vector<32x32xf32>, vector<10000x32xf32> -> vector<10000x32xf32>
    %get3A_64 = arith.constant 0 : index
    %get3A_65 = arith.constant 0 : index
    %get3A_66 = vector.load %arg14[%get3A_64, %get3A_65] : memref<1x32xf32, #tpu.memory_space<vmem>>, vector<1x32xf32>
    %add3A_67 = vector.broadcast %get3A_66 : vector<1x32xf32> to vector<10000x32xf32>
    %add3A_68 = arith.addf %dot_general3A_63, %add3A_67 : vector<10000x32xf32>
    %gt3A_69 = arith.constant 0.000000e+00 : f32
    %gt3A_70 = vector.broadcast %gt3A_69 : f32 to vector<10000x32xf32>
    %gt3A_71 = arith.cmpf ogt, %add3A_68, %gt3A_70 : vector<10000x32xf32>
    %min3A_72 = arith.constant 0.000000e+00 : f32
    %min3A_73 = vector.broadcast %min3A_72 : f32 to vector<10000x32xf32>
    %min3A_74 = arith.minimumf %add3A_68, %min3A_73 : vector<10000x32xf32>
    %exp3A_75 = math.exp %min3A_74 : vector<10000x32xf32>
    %sub3A_76 = arith.constant 1.000000e+00 : f32
    %sub3A_77 = vector.broadcast %sub3A_76 : f32 to vector<10000x32xf32>
    %sub3A_78 = arith.subf %exp3A_75, %sub3A_77 : vector<10000x32xf32>
    %select_n3A_79 = arith.select %gt3A_71, %add3A_68, %sub3A_78 : vector<10000x32xi1>, vector<10000x32xf32>
    %get3A_80 = arith.constant 0 : index
    %get3A_81 = arith.constant 0 : index
    %get3A_82 = vector.load %arg15[%get3A_80, %get3A_81] : memref<1x32xf32, #tpu.memory_space<vmem>>, vector<1x32xf32>
    %get3A_83 = arith.constant 0 : index
    %get3A_84 = arith.constant 0 : index
    %get3A_85 = vector.load %arg16[%get3A_83, %get3A_84] : memref<1x32xf32, #tpu.memory_space<vmem>>, vector<1x32xf32>
    %reduce_sum3A = arith.constant dense<0.000000e+00> : vector<32xf32>
    %reduce_sum3A_86 = vector.multi_reduction <add>, %select_n3A_79, %reduce_sum3A [0] : vector<10000x32xf32> to vector<32xf32>
    %broadcast_in_dim3A = vector.shape_cast %reduce_sum3A_86 : vector<32xf32> to vector<1x32xf32>
    %div3A = arith.constant 1.000000e+04 : f32
    %div3A_87 = vector.broadcast %div3A : f32 to vector<1x32xf32>
    %div3A_88 = arith.divf %broadcast_in_dim3A, %div3A_87 : vector<1x32xf32>
    %sub3A_89 = vector.broadcast %div3A_88 : vector<1x32xf32> to vector<10000x32xf32>
    %sub3A_90 = arith.subf %select_n3A_79, %sub3A_89 : vector<10000x32xf32>
    %integer_pow3A = arith.mulf %sub3A_90, %sub3A_90 : vector<10000x32xf32>
    %reduce_sum3A_91 = arith.constant dense<0.000000e+00> : vector<32xf32>
    %reduce_sum3A_92 = vector.multi_reduction <add>, %integer_pow3A, %reduce_sum3A_91 [0] : vector<10000x32xf32> to vector<32xf32>
    %broadcast_in_dim3A_93 = vector.shape_cast %reduce_sum3A_92 : vector<32xf32> to vector<1x32xf32>
    %div3A_94 = arith.constant 1.000000e+04 : f32
    %div3A_95 = vector.broadcast %div3A_94 : f32 to vector<1x32xf32>
    %div3A_96 = arith.divf %broadcast_in_dim3A_93, %div3A_95 : vector<1x32xf32>
    %sub3A_97 = vector.broadcast %div3A_88 : vector<1x32xf32> to vector<10000x32xf32>
    %sub3A_98 = arith.subf %select_n3A_79, %sub3A_97 : vector<10000x32xf32>
    %add3A_99 = arith.constant 9.99999974E-6 : f32
    %add3A_100 = vector.broadcast %add3A_99 : f32 to vector<1x32xf32>
    %add3A_101 = arith.addf %div3A_96, %add3A_100 : vector<1x32xf32>
    %sqrt3A = math.sqrt %add3A_101 : vector<1x32xf32>
    %div3A_102 = vector.broadcast %sqrt3A : vector<1x32xf32> to vector<10000x32xf32>
    %div3A_103 = arith.divf %sub3A_98, %div3A_102 : vector<10000x32xf32>
    %mul3A = vector.broadcast %get3A_82 : vector<1x32xf32> to vector<10000x32xf32>
    %mul3A_104 = arith.mulf %div3A_103, %mul3A : vector<10000x32xf32>
    %add3A_105 = vector.broadcast %get3A_85 : vector<1x32xf32> to vector<10000x32xf32>
    %add3A_106 = arith.addf %mul3A_104, %add3A_105 : vector<10000x32xf32>
    %swap3A = arith.constant 0 : index
    %swap3A_107 = arith.constant 0 : index
    %swap3A_108 = vector.load %arg17[%swap3A, %swap3A_107] : memref<10000x32xf32, #tpu.memory_space<vmem>>, vector<10000x32xf32>
    tpu.vector_store %arg17[%swap3A, %swap3A_107], %add3A_106 {strides = array<i32>} : memref<10000x32xf32, #tpu.memory_space<vmem>>, vector<10000x32xf32>,
    %get3A_109 = arith.constant 0 : index
    %get3A_110 = arith.constant 0 : index
    %get3A_111 = vector.load %arg4[%get3A_109, %get3A_110] : memref<10000x40xf32, #tpu.memory_space<vmem>>, vector<10000x40xf32>
    %add3A_112 = arith.constant 9.99999996E-13 : f32
    %add3A_113 = vector.broadcast %add3A_112 : f32 to vector<10000x40xf32>
    %add3A_114 = arith.addf %get3A_111, %add3A_113 : vector<10000x40xf32>
    %sqrt3A_115 = math.sqrt %add3A_114 : vector<10000x40xf32>
    %reduce_sum3A_116 = vector.shape_cast %sqrt3A_115 : vector<10000x40xf32> to vector<1x10000x40xf32>
    %reduce_sum3A_117 = arith.constant dense<0.000000e+00> : vector<1xf32>
    %reduce_sum3A_118 = vector.multi_reduction <add>, %reduce_sum3A_116, %reduce_sum3A_117 [1, 2] : vector<1x10000x40xf32> to vector<1xf32>
    %reduce_sum3A_119 = vector.shape_cast %reduce_sum3A_118 : vector<1xf32> to vector<1x1x1xf32>
    %reduce_sum3A_120 = vector.extract %reduce_sum3A_119[0, 0, 0] : f32 from vector<1x1x1xf32>
    %broadcast_in_dim3A_121 = vector.broadcast %reduce_sum3A_120 : f32 to vector<1x1xf32>
    %div3A_122 = arith.constant 4.000000e+05 : f32
    %div3A_123 = vector.broadcast %div3A_122 : f32 to vector<1x1xf32>
    %div3A_124 = arith.divf %broadcast_in_dim3A_121, %div3A_123 : vector<1x1xf32>
    %swap3A_125 = arith.constant 0 : index
    %swap3A_126 = arith.constant 0 : index
    %swap3A_127 = vector.load %arg18[%swap3A_125, %swap3A_126] : memref<1x1xf32, #tpu.memory_space<vmem>>, vector<1x1xf32>
    tpu.vector_store %arg18[%swap3A_125, %swap3A_126], %div3A_124 {strides = array<i32>} : memref<1x1xf32, #tpu.memory_space<vmem>>, vector<1x1xf32>,
    return
  }
}

</mosaic_0001>

<sc_bundles>
// kernel: kernel.5.cloned.1.call-start
scs
__scs_entry_jumppad:
0x0: {  	(pc) =	sbr.rel $0x88, $3  }
0x1: {  	(tag) =	ssettag $0x0;
	lr =	simm.s32 $0x1  }
0x2: {  	[smem:$0x3F8C] =	sst lr;
	_ =	strace $0xD0000000  }
0x3: {  	_ = 	snop  }
0x4: {  	_ = 	snop  }
0x5: {  	_ = 	snop  }
0x6: {  	_ = 	snop  }
0x7: {  	_ = 	snop  }
__scs_overlays_trampoline_lowered:
0x8: {  	[smem:$0x3F9B] =	sst s0  }
0x9: {  	[smem:$0x3F9C] =	sst s1  }
0xa: {  	[smem:$0x3F9D] =	sst s2  }
0xb: {  	[smem:$0x3F9E] =	sst s3  }
0xc: {  	[smem:$0x3F9F] =	sst s4  }
0xd: {  	[smem:$0x3FA0] =	sst s5  }
0xe: {  	[smem:$0x3FA1] =	sst s6  }
0xf: {  	[smem:$0x3FA2] =	sst s7  }
0x10: {  	[smem:$0x3FA3] =	sst s8  }
0x11: {  	[smem:$0x3FA4] =	sst s9;
	s0 =	simm.s32 @!p0 $0x0  }
0x12: {  	s1 =	sld [smem:$0x3F8A];
	s0 =	simm.s32 @p0 $0x1  }
0x13: {  	[smem:$0x3FA5] =	sst s0;
	s0 =	simm.s32 @!p1 $0x0  }
0x14: {  	s2 =	sld [smem:$0x3F89];
	s0 =	simm.s32 @p1 $0x1  }
0x15: {  	[smem:$0x3FA6] =	sst s0;
	s0 =	simm.s32 @!p2 $0x0  }
0x16: {  	s3 =	sld [smem:$0x3FDB];
	s0 =	simm.s32 @p2 $0x1  }
0x17: {  	s4 =	simm.s32 $0x1BF5;
	[smem:$0x3FA8] =	sst s0  }
0x18: {  	s0 =	sld [smem:$0x3F8B];
	_ =	swait.ge [sflag:s4], $0x0  }
0x19: {  	s7 =	sld [smem:$0x3F8C]  }
0x1a: {  	s8 =	sadd.s32 $0xFFFFE003, lr  }
0x1b: {  	s9 =	sadd.s32 $0xFFFFFEF7, lr;
	s5 =	simm.s32 $0xFFFFFFFF;
	p2 =	slt.u32 s8, $0xFFFFF086  }
0x1c: {  	p1 =	slt.u32 s9, $0xF7A;
	s5 =	simm.s32 @!p2 $0x0  }
0x1d: {  	s5 =	simm.s32 @p1 $0x1;
	p0 =	seq.s32 s7, s2  }
0x1e: {  	s7 =	smul.u32 @!p0 $0xF7A, s2;
	p2 =	seq.s32 @!p0 s5, $0x0  }
0x1f: {  	s9 =	smul.u32 $0xF7A, s1;
	s8 =	simm.s32 @!p0 $0x1BF5;
	p2 =	por !p2, p0  }
0x20: {  	[sflag:s8] =	ssyncset.s32 @!p0 $0xFFFFF086;
	s6 =	sadd.s32 @!p0 s3, s7;
	s7 =	simm.s32 @!p0 $0x108  }
0x21: {  	s3 =	sadd.s32 s3, s9;
	s6 =	sadd.s32 @!p0 $0x88, s6;
	s7 =	simm.s32 @p2 $0x1082  }
0x22: {  	[simem:s7], [sflag:s8] =	dma.local @!p0 [hbm:s6], $0xF7A  }
0x23: {  	s9 =	sor.u32 $0xD0000000, s2;
	s6 =	simm.s32 $0x108;
	_ =	swait.ge @!p0 [sflag:s8], $0x0  }
0x24: {  	s3 =	sadd.s32 $0x88, s3;
	s6 =	simm.s32 @!p1 $0x1082;
	[sflag:s4] =	ssyncset.s32 $0xFFFFF086  }
0x25: {  	[simem:s6], [sflag:s4] =	dma.local [hbm:s3], $0xF7A  }
0x26: {  	[smem:$0x3F8C] =	sst s1;
	(tag) =	ssettag s2;
	_ =	strace s9  }
0x27: {  	s1 =	sld [smem:$0x3F9C]  }
0x28: {  	s2 =	sld [smem:$0x3F9D]  }
0x29: {  	s4 =	sld [smem:$0x3F9F]  }
0x2a: {  	p0 =	seq.s32 s5, $0x0;
	s5 =	sld [smem:$0x3FA0]  }
0x2b: {  	s6 =	sld [smem:$0x3FA1]  }
0x2c: {  	s7 =	sld [smem:$0x3FA2]  }
0x2d: {  	s3 =	simm.s32 $0x108;
	s8 =	sld [smem:$0x3FA3]  }
0x2e: {  	s3 =	simm.s32 @!p0 $0x1082;
	s9 =	sld [smem:$0x3FA4]  }
0x2f: {  	lr =	sadd.s32 s0, s3;
	s0 =	sld [smem:$0x3F9B]  }
0x30: {  	s3 =	sld [smem:$0x3F9E]  }
0x31: {  	[smem:$0x3FA7] =	sst s10  }
0x32: {  	s10 =	sld [smem:$0x3FA5];
	_ =	sdelay $0x3  }
0x33: {  	p0 =	seq.s32 s10, $0x1;
	s10 =	sld [smem:$0x3FA7];
	_ =	sdelay $0x3  }
0x34: {  	[smem:$0x3FA7] =	sst s10  }
0x35: {  	s10 =	sld [smem:$0x3FA6];
	_ =	sdelay $0x3  }
0x36: {  	p1 =	seq.s32 s10, $0x1;
	s10 =	sld [smem:$0x3FA7];
	_ =	sdelay $0x3  }
0x37: {  	[smem:$0x3FA7] =	sst s10  }
0x38: {  	s10 =	sld [smem:$0x3FA8]  }
0x39: {  	_ = 	snop;
	(pc) =	sbr.ind lr, $3  }
0x3a: {  	_ = 	snop  }
0x3b: {  	_ = 	snop  }
0x3c: {  	p2 =	seq.s32 s10, $0x1;
	s10 =	sld [smem:$0x3FA7]  }
0x3d: {  	_ =	shalt  }
0x3e: {  	_ =	shalt  }
0x3f: {  	_ =	shalt  }
0x40: {  	_ =	shalt  }
0x41: {  	_ =	shalt  }
0x42: {  	_ =	shalt  }
0x43: {  	_ =	shalt  }
0x44: {  	_ =	shalt  }
0x45: {  	_ =	shalt  }
0x46: {  	_ =	shalt  }
0x47: {  	_ =	shalt  }
0x48: {  	_ =	shalt  }
0x49: {  	_ =	shalt  }
0x4a: {  	_ =	shalt  }
0x4b: {  	_ =	shalt  }
0x4c: {  	_ =	shalt  }
0x4d: {  	_ =	shalt  }
0x4e: {  	_ =	shalt  }
0x4f: {  	_ =	shalt  }
0x50: {  	_ =	shalt  }
0x51: {  	_ =	shalt  }
0x52: {  	_ =	shalt  }
0x53: {  	_ =	shalt  }
0x54: {  	_ =	shalt  }
0x55: {  	_ =	shalt  }
0x56: {  	_ =	shalt  }
0x57: {  	_ =	shalt  }
0x58: {  	_ =	shalt  }
0x59: {  	_ =	shalt  }
0x5a: {  	_ =	shalt  }
0x5b: {  	_ =	shalt  }
0x5c: {  	_ =	shalt  }
0x5d: {  	_ =	shalt  }
0x5e: {  	_ =	shalt  }
0x5f: {  	_ =	shalt  }
0x60: {  	_ =	shalt  }
0x61: {  	_ =	shalt  }
0x62: {  	_ =	shalt  }
0x63: {  	_ =	shalt  }
0x64: {  	_ =	shalt  }
0x65: {  	_ =	shalt  }
0x66: {  	_ =	shalt  }
0x67: {  	_ =	shalt  }
0x68: {  	_ =	shalt  }
0x69: {  	_ =	shalt  }
0x6a: {  	_ =	shalt  }
0x6b: {  	_ =	shalt  }
0x6c: {  	_ =	shalt  }
0x6d: {  	_ =	shalt  }
0x6e: {  	_ =	shalt  }
0x6f: {  	_ =	shalt  }
0x70: {  	_ =	shalt  }
0x71: {  	_ =	shalt  }
0x72: {  	_ =	shalt  }
0x73: {  	_ =	shalt  }
0x74: {  	_ =	shalt  }
0x75: {  	_ =	shalt  }
0x76: {  	_ =	shalt  }
0x77: {  	_ =	shalt  }
0x78: {  	_ =	shalt  }
0x79: {  	_ =	shalt  }
0x7a: {  	_ =	shalt  }
0x7b: {  	_ =	shalt  }
0x7c: {  	_ =	shalt  }
0x7d: {  	_ =	shalt  }
0x7e: {  	_ =	shalt  }
0x7f: {  	_ =	shalt  }
0x80: {  	_ =	shalt  }
0x81: {  	_ =	shalt  }
0x82: {  	_ =	shalt  }
0x83: {  	_ =	shalt  }
0x84: {  	_ =	shalt  }
0x85: {  	_ =	shalt  }
0x86: {  	_ =	shalt  }
0x87: {  	_ =	shalt  }
.Lfunc_end0:
.L_simem_size_0:
called_computation_lowered:
.L_overlay_start_0:
0x88: {  	s2 =	sld [smem:$0x3FD9]  }
0x89: {  	s3 =	sld [smem:$0x3FFE];
	_ =	sdelay $0x1  }
0x8a: {  	s1 =	srdreg.scid  }
0x8b: {  	s0 =	sand.u32 $0x1, s1  }
0x8c: {  	s14 =	sshll.u32 s0, $0xA;
	s2 =	sadd.s32 s3, s2  }
0x8d: {  	s2 =	sadd.s32 s2, s14  }
0x8e: {  	[smem:$0x3FB3] =	sst s2  }
0x8f: {  	_ = 	snop  }
0x90: {  	s2 =	sld [smem:$0x3FD0];
	_ =	sdelay $0x2  }
0x91: {  	s15 =	simm.s32 $0xA;
	s4 =	simm.s32 $0x10  }
0x92: {  	[smem:s4], [sflag:s15] =	dma.local [hbm:s2], $0x1  }
0x93: {  	_ =	swait.eq [sflag:s15], $0x1  }
0x94: {  	[sflag:s15] =	ssyncset.done $0x0  }
0x95: {  	[sflag:s15] =	ssyncadd.s32 $0xFFFFFFFF  }
0x96: {  	s16 =	sld [smem:$0x10];
	(tm) =	ssettm $0x1  }
0x97: {  	s17 =	sld [smem:$0x3FFB];
	_ =	sdelay $0x3  }
0x98: {  	_ =	strace s17  }
0x99: {  	s3 =	sld [smem:$0x3FFC];
	_ =	sdelay $0x3  }
0x9a: {  	_ =	strace s3  }
0x9b: {  	s3 =	sld [smem:$0x3FFD];
	_ =	sdelay $0x3  }
0x9c: {  	_ =	strace s3  }
0x9d: {  	_ =	strace $0x8FFFFFFF  }
0x9e: {  	s18 =	sld [smem:$0x3FDB];
	_ =	sdelay $0x1  }
0x9f: {  	s19 =	simm.s32 $_scs_section_size  }
0xa0: {  	s5 =	simm.s32 $_size__tile_overlayer_lowered;
	s6 =	simm.s32 $_tile_overlayer_lowered  }
0xa1: {  	s22 =	simm.s32 $0x1BFF;
	s21 =	sshll.u32 s6, $0x1;
	s3 =	sadd.s32 s19, s18  }
0xa2: {  	s7 =	simm.s32 $0x0;
	s20 =	sshll.u32 s5, $0x1;
	s5 =	sadd.s32 s21, s3  }
0xa3: {  	[timem:s7], [sflag:s22] =	dma.local [hbm:s5], s20  }
0xa4: {  	_ =	swait.ge [sflag:s22], s20  }
0xa5: {  	s4 =	ssub.s32 $0x0, s20;
	[sflag:s22] =	ssyncset.done $0x0  }
0xa6: {  	[sflag:s22] =	ssyncadd.s32 s4;
	_ =	sdelay $0x1  }
0xa7: {  	s23 =	simm.s32 $0x1B8B  }
0xa8: {  	_ =	swait.ge [sflag:s23], $0x1  }
0xa9: {  	[sflag:s23] =	ssyncset.done $0x0  }
0xaa: {  	s25 =	simm.s32 $0x1B8E;
	s24 =	sld [smem:$0x3FFE];
	[sflag:s23] =	ssyncadd.s32 $0xFFFFFFFF  }
0xab: {  	s26 =	simm.s32 $execute0_lowered;
	[smem:$0x3FD2] =	sst s25  }
0xac: {  	s5 =	sshll.u32 s26, $0x1;
	_ =	strace $0x80000046;
	[dreg:$0x1] =	wrdreg $0xFFFFFFFF  }
0xad: {  	s28 =	simm.s32 $_size_execute0_lowered;
	s3 =	sadd.s32 s3, s5;
	[dreg:$0x0] =	wrdreg $0x0  }
0xae: {  	s5 =	sshll.u32 s28, $0x1;
	[dreg:$0x2] =	wrdreg s3  }
0xaf: {  	[dreg:$0x3] =	wrdreg s5  }
0xb0: {  	[dreg:$0x4] =	wrdreg $0xC0  }
0xb1: {  	_ =	task [dreg:s7], $0x5FFFF  }
0xb2: {  	[dreg:$0x1] =	wrdreg $0xFFFFFFFF  }
0xb3: {  	[dreg:$0x0] =	wrdreg $0x60  }
0xb4: {  	[dreg:$0x2] =	wrdreg s24  }
0xb5: {  	[dreg:$0x3] =	wrdreg s16  }
0xb6: {  	[dreg:$0x4] =	wrdreg $0x9  }
0xb7: {  	_ =	task.clear_ibuf [dreg:s7], $0x5FFFF;
	_ =	strace $0x90000046  }
0xb8: {  	s29 =	simm.s32 $0x9;
	_ =	strace $0x80000048  }
0xb9: {  	_ =	swait.ge [sflag:s29], $0x1  }
0xba: {  	[sflag:s29] =	ssyncadd.s32 $0xFFFFFFFF  }
0xbb: {  	_ =	strace $0x90000048  }
0xbc: {  	_ =	sfence  }
0xbd: {  	s30 =	sld [smem:$0x0];
	_ =	sdelay $0x2  }
0xbe: {  	s31 =	sshll.u32 s1, $0xD;
	s1 =	sshrl.u32 s1, $0x2  }
0xbf: {  	s3 =	sand.u32 $0x4000, s31;
	s1 =	sadd.s32 s1, s30  }
0xc0: {  	s0 =	sor.u32 s3, s0;
	s1 =	sshll.u32 s1, $0x11  }
0xc1: {  	s0 =	sor.u32 s1, s0  }
0xc2: {  	s0 =	sadd.s32 $0x8F2B, s0  }
0xc3: {  	[sflag:s0] =	ssyncadd.remote.s32 $0x1  }
0xc4: {  	_ =	sfence.sel $0xFFFF  }
0xc5: {  	[dreg:$0x0] =	wrdreg $0xFFFFFFFF;
	(pc) =	sbr.abs _section_cstart, $3  }
0xc6: {  	[dreg:$0x1] =	wrdreg $0xFFFFFFFF  }
0xc7: {  	_ =	task.clear_ibuf [dreg:s7], $0x2FFFF;
	_ =	strace $0x9FFFFFFF  }
0xc8: {  	(tm) =	ssettm $0x7FFFFFFF  }
0xc9: {  	_ =	shalt  }
tec
execute0_lowered:
.L_overlay_start_1:
0x0: {  	(tag) =	ssettag $0x1  }
0x1: {  	s0 =	srdreg.scid  }
0x2: {  	s9 =	stileid.u32;
	s1 =	rddreg [dreg:$0x0]  }
0x3: {  	s5 =	rddreg [dreg:$0x1];
	s12 =	simm.s32 $0x1;
	s14 =	simm.s32 $0x80  }
0x4: {  	s15 =	simm.s32 $0x400;
	s16 =	simm.s32 $0x80000000;
	s18 =	simm.s32 $0x9000  }
0x5: {  	s0 =	sand.u32 $0x1, s0;
	s2 =	sshll.u32 s9, $0x1;
	s9 =	smul.u32 $0xFFFFFD80, s9  }
0x6: {  	s19 =	simm.s32 $0x0;
	s4 =	sor.u32 s0, s2;
	s7 =	smul.u32 $0xFFFFFEC0, s0  }
0x7: {  	s2 =	simm.s32 $0x0;
	s0 =	ssub.s32 $0x2, s0;
	s3 =	smul.u32 $0x140, s4  }
0x8: {  	[smem:$0x7FF] =	sst s2;
	s6 =	smul.u32 $0x640, s4;
	s4 =	sadd.s32 $0x52600, s1  }
.Ltmp0:
0x9: {  	s30 =	sshrl.u32 s0, $0x1;
	_ =	strace $0x80000047;
	(pc) =	sbr.rel .LBB2_1-.Ltmp0, $4  }
0xa: {  	s0 =	ssub.s32 s0, s30;
	s31 =	sadd.s32 s9, s7;
	s8 =	sshrl.u32 s3, $0x3  }
0xb: {  	s9 =	sadd.s32 $0x2710, s31;
	s10 =	sadd.s32 s8, s1;
	s1 =	sadd.s32 s6, s1  }
0xc: {  	s5 =	sadd.s32 s5, s8;
	s9 =	smin.u32 s9, $0x140;
	s6 =	sadd.s32 $0x52000, s10  }
0xd: {  	v0 =	vlaneseq.u32;
	vm0 =	vmxor vm0, vm0;
	v1 =	vimm.s32 $0x7FFFFFFF;
	s7 =	sadd.s32 $0xC6CE00, s1;
	s8 =	sadd.s32 $0xC60600, s1;
	s10 =	smax.u32 s0, $0x1  }
.LBB2_25:
0xe: {  	s0 =	simm.s32 $0x5E00  }
0xf: {  	[hbm4b:s7+s2] =	stream.linear.scatter [tilespmem:s0], [sflag:$0x1], $0x3200, $0x38;
	[tilespmem:$0xC200] =	vst v63  }
0x10: {  	s19 =	sadd.s32 $0x1, s19;
	_ =	swait.ge [sflag:s12], $0x3200  }
0x11: {  	p0 =	sne.s32 s19, s10;
	[sflag:s12] =	ssyncset.done $0x0  }
.Ltmp1:
0x12: {  	[sflag:s12] =	ssyncadd.s32 $0xFFFFCE00;
	(pc) =	sbr.rel @!p0 .LBB2_26-.Ltmp1, $4  }
0x13: {  	[hbm4b:s8+s2] =	stream.linear.scatter [tilespmem:s18], [sflag:$0x1], $0x3200, $0x38;
	[tilespmem:$0xC200] =	vst v63  }
0x14: {  	_ =	swait.ge [sflag:s12], $0x3200  }
0x15: {  	[sflag:s12] =	ssyncset.done $0x0  }
0x16: {  	[sflag:s12] =	ssyncadd.s32 $0xFFFFCE00  }
.LBB2_1:
0x17: {  	s0 =	simm.s32 $0x5B00  }
0x18: {  	[tilespmem:s0], [sflag:$0x1] =	stream.linear.gather [hbm4b:s5+s2], $0x140, $0x38;
	[tilespmem:$0xC200] =	vst v63  }
0x19: {  	_ =	swait.ge [sflag:s12], $0x140  }
0x1a: {  	[sflag:s12] =	ssyncset.done $0x0  }
.Ltmp2:
0x1b: {  	s31 =	simm.s32 $0x5C80;
	[sflag:s12] =	ssyncadd.s32 $0xFFFFFEC0;
	(pc) =	sbr.rel .LBB2_2-.Ltmp2, $4  }
0x1c: {  	[tilespmem:s31], [sflag:$0x1] =	stream.linear.gather [hbm4b:s6+s2], $0x140, $0x38;
	[tilespmem:$0xC200] =	vst v63  }
0x1d: {  	_ =	swait.ge [sflag:s12], $0x140  }
0x1e: {  	[sflag:s12] =	ssyncset.done $0x0  }
0x1f: {  	s21 =	simm.f32 $1.000000000e+00;
	s20 =	simm.s32 $0x0;
	[sflag:s12] =	ssyncadd.s32 $0xFFFFFEC0  }
.LBB2_23:
0x20: {  	[tilespmem:s1+$0x5980] =	vst.msk @!p1 vm1, v3  }
.LBB2_24:
0x21: {  	v2 =	vld [tilespmem:$0x5900]  }
0x22: {  	v3 =	vld [tilespmem:$0x5910]  }
0x23: {  	v4 =	vld [tilespmem:$0x5918];
	_ =	sdelay $0x1  }
0x24: {  	s0 =	smul.u32 $0x28, s20  }
0x25: {  	v2 =	vmax.f32 v2, $0.0e+00  }
0x26: {  	v3 =	vmax.f32 v3, $0.0e+00;
	[tilespmem:s0+$0x5E00] =	vst v2  }
0x27: {  	v2 =	vmax.f32 v4, $0.0e+00;
	[tilespmem:s0+$0x5E10] =	vst v3  }
0x28: {  	[tilespmem:s0+$0x5E18] =	vst v2  }
0x29: {  	v2 =	vld [tilespmem:$0x5980];
	_ =	sdelay $0x4  }
0x2a: {  	[tilespmem:s0+$0x9000] =	vst v2  }
0x2b: {  	v2 =	vld [tilespmem:$0x5990];
	_ =	sdelay $0x4  }
0x2c: {  	[tilespmem:s0+$0x9010] =	vst v2  }
0x2d: {  	v2 =	vld [tilespmem:$0x5998];
	_ =	sdelay $0x4  }
0x2e: {  	[tilespmem:s0+$0x9018] =	vst v2  }
0x2f: {  	v2 =	vld [tilespmem:$0x5900]  }
0x30: {  	v3 =	vld [tilespmem:$0x5910]  }
0x31: {  	v63 =	vld [tilespmem:$0x5918];
	_ =	sdelay $0x2  }
0x32: {  	(xrf0) =	vmax.scan.msk.f32 $0xffff, v2  }
0x33: {  	(xrf0) =	vmax.scan.msk.f32 $0xffff, v3  }
0x34: {  	(xrf0) =	vmax.scan.msk.f32 $0xffff, v63;
	_ =	sdelay $0x3  }
0x35: {  	v2, _, _ =	vpop (xrf0)  }
0x36: {  	v3, _, _ =	vpop (xrf0);
	(v2sf) =	vpush v2, $0xF  }
0x37: {  	(v2sf) =	vpush v3, $0xF;
	v2, _, _ =	vpop (xrf0)  }
0x38: {  	(v2sf) =	vpush v2, $0xF;
	_ =	sdelay $0xc  }
0x39: {  	s31 =	spop (v2sf)  }
0x3a: {  	s20 =	sadd.s32 $0x1, s20;
	s1 =	spop (v2sf)  }
0x3b: {  	p0 =	sne.s32 s20, s9;
	s11 =	spop (v2sf)  }
.Ltmp3:
0x3c: {  	s1 =	smax.f32 s1, s11;
	(pc) =	sbr.rel @!p0 .LBB2_25-.Ltmp3, $3  }
0x3d: {  	s0 =	smax.f32 s31, s1  }
0x3e: {  	s0 =	smul.f32 $4.000000000e+00, s0;
	_ =	sdelay $0x1  }
0x3f: {  	s21 =	sadd.f32 $9.999999770e-03, s0  }
.LBB2_2:
0x40: {  	s0 =	sadd.s32 s3, s20  }
0x41: {  	s0 =	sshrl.u32 s0, $0x3  }
0x42: {  	s1 =	sshll.u32 s20, $0x7;
	s0 =	smul.u32 $0x13C00, s0  }
0x43: {  	s1 =	sand.u32 $0x380, s1  }
0x44: {  	s0 =	sor.u32 s1, s0  }
0x45: {  	s0 =	sshrl.u32 s0, $0x3  }
0x46: {  	s22 =	simm.s32 $0x0;
	s0 =	sadd.s32 s4, s0  }
0x47: {  	[tilespmem:s22], [sflag:$0x1] =	stream.strided.gather [hbm4b:s0+s14], $0x2780, s15, s14, $0x38;
	[tilespmem:$0xC200] =	vst v63  }
0x48: {  	_ =	swait.ge [sflag:s12], $0x2780  }
0x49: {  	[sflag:s12] =	ssyncset.done $0x0  }
0x4a: {  	s26 =	sand.u32 $0x7FFFFFF0, s20;
	[sflag:s12] =	ssyncadd.s32 $0xFFFFD880  }
0x4b: {  	v2 =	vld [tilespmem:s26+$0x5B00]  }
0x4c: {  	v3 =	vld [tilespmem:s26+$0x5C80];
	_ =	sdelay $0x1  }
0x4d: {  	s29 =	sand.u32 $0xF, s20  }
0x4e: {  	v4 =	vmov s29  }
0x4f: {  	vm1 =	veq.s32 v4, v0;
	v2 =	vxor.u32 $0x80000000, v2  }
0x50: {  	v3 =	vxor.u32 $0x80000000, v3;
	v2 =	vnsel vm1, $0x7FFFFFFF, v2  }
0x51: {  	(xrf0) =	vmax.scan.msk.u32 $0xffff, v2;
	v2 =	vnsel vm1, $0x7FFFFFFF, v3  }
0x52: {  	(xrf0) =	vmax.scan.msk.u32 $0xffff, v2;
	_ =	sdelay $0x4  }
0x53: {  	v2, _, _ =	vpop (xrf0)  }
0x54: {  	(v2sf) =	vpush v2, $0xF;
	v2, _, _ =	vpop (xrf0)  }
0x55: {  	(v2sf) =	vpush v2, $0xF;
	_ =	sdelay $0xd  }
0x56: {  	s30 =	spop (v2sf)  }
0x57: {  	s31 =	spop (v2sf)  }
0x58: {  	s0 =	sxor.u32 $0x80000000, s30;
	s11 =	sadd.s32 $0x8000000F, s31  }
0x59: {  	s23 =	sshra.s32 s0, $0x1F;
	s24 =	sshra.s32 s11, $0x1F  }
0x5a: {  	s23 =	sshrl.u32 s23, $0x1C;
	s24 =	sshrl.u32 s24, $0x1C  }
0x5b: {  	s23 =	sadd.s32 s23, s0;
	s11 =	sadd.s32 s24, s11  }
0x5c: {  	s28 =	sshra.s32 s23, $0x4;
	s11 =	sshra.s32 s11, $0x4  }
0x5d: {  	p0 =	sle.s32 s11, s28  }
.Ltmp4:
0x5e: {  	_ = 	snop;
	(pc) =	sbr.rel @p0 .LBB2_6-.Ltmp4, $3  }
0x5f: {  	_ =	sdelay $0x1  }
0x60: {  	s1 =	sxor.u32 $0x80000000, s31  }
0x61: {  	s25 =	simm.s32 $0x0;
	v2 =	vmov s0;
	v3 =	vmov s1;
	s26 =	sshll.u32 s28, $0x6;
	s23 =	ssub.s32 s11, s28  }
0x62: {  	s0 =	sshra.s32 s26, $0x2  }
0x63: {  	v5 =	vld [tilespmem:s0+$0x0];
	_ =	sdelay $0x2  }
0x64: {  	s29 =	sshll.u32 s28, $0x4  }
0x65: {  	v4 =	vmov s21;
	v6 =	vor.u32 s29, v0  }
0x66: {  	vm2 =	vge.s32 v6, v2;
	vm1 =	vlt.f32 v5, v4  }
0x67: {  	p1 =	por $0x1, $0x1;
	vm3 =	vmmov vm0;
	vm1 =	vmand vm2, vm1;
	vm2 =	vlt.s32 v6, v3  }
0x68: {  	vm3 =	vmneg @p1 vm3;
	vm1 =	vmand vm2, vm1  }
0x69: {  	vm2 =	vmand vm3, vm1;
	v7 =	vmpcnt.ones.xlane vm1  }
0x6a: {  	v8 =	vmpcnt.ones.xlane vm2  }
0x6b: {  	v7 =	vxor.u32 $0x80000000, v7  }
0x6c: {  	v8 =	vxor.u32 $0x80000000, v8;
	(xrf0) =	vmax.scan.msk.u32 $0xffff, v7  }
0x6d: {  	(xrf0) =	vmax.scan.msk.u32 $0xffff, v8;
	_ =	sdelay $0x4  }
0x6e: {  	v7, _, _ =	vpop (xrf0)  }
0x6f: {  	v8, _, _ =	vpop (xrf0);
	(v2sf) =	vpush v7, $0xF  }
0x70: {  	(v2sf) =	vpush v8, $0xF;
	_ =	sdelay $0xd  }
0x71: {  	s11 =	spop (v2sf)  }
0x72: {  	s24 =	spop (v2sf)  }
0x73: {  	s24 =	sxor.u32 $0x80000000, s24  }
0x74: {  	s30 =	sadd.s32 $0xFFFFFFFF, s23;
	p1 =	slt.s32 s24, $0x1  }
0x75: {  	p2 =	seq.s32 s30, $0x0;
	vm1 =	vlt.f32 @!p1 v5, $0.0e+00;
	v7 =	vimm.s32 @!p1 $0x0  }
.Ltmp5:
0x76: {  	v7 =	vsel @!p1 vm1, $0x7FFFFFFF, v7;
	(pc) =	sbr.rel @p2 .LBB2_5-.Ltmp5, $4  }
0x77: {  	s1 =	simm.s32 $0x0;
	v7 =	vxor.u32 @!p1 v5, v7  }
0x78: {  	[tilespmem:s1+$0x2780] =	vst.msk @!p1 vm2, v7  }
0x79: {  	s11 =	sadd.s32 $0x0, s11;
	[tilespmem:s1+$0x3800] =	vst.msk @!p1 vm2, v5  }
0x7a: {  	s25 =	sadd.s32 $0x80000000, s11;
	s24 =	sadd.s32 $0x0, s24;
	[tilespmem:s1+$0x4880] =	vst.msk @!p1 vm2, v6;
	s1 =	sadd.s32 $0x10, s0  }
.LBB2_4:
0x7b: {  	v5 =	vld [tilespmem:s1+$0x0]  }
0x7c: {  	s0 =	smov.u32 s24;
	_ =	sdelay $0x1  }
0x7d: {  	s30 =	sadd.s32 $0xFFFFFFFF, s30;
	s29 =	sadd.s32 $0x10, s29  }
0x7e: {  	p1 =	seq.s32 s30, $0x0;
	v6 =	vor.u32 s29, v0  }
0x7f: {  	vm2 =	vge.s32 v6, v2;
	vm1 =	vlt.f32 v5, v4  }
0x80: {  	vm1 =	vmand vm2, vm1;
	vm2 =	vlt.s32 v6, v3  }
0x81: {  	p2 =	slt.s32 s24, $0x1000;
	vm2 =	vmand vm2, vm1;
	vm1 =	vmmov vm0  }
0x82: {  	vm1 =	vmneg @p2 vm1  }
0x83: {  	v7 =	vmpcnt.ones.xlane vm2;
	vm1 =	vmand vm1, vm2  }
0x84: {  	v8 =	vmpcnt.ones.xlane vm1  }
0x85: {  	v7 =	vxor.u32 $0x80000000, v7  }
0x86: {  	v8 =	vxor.u32 $0x80000000, v8;
	(xrf0) =	vmax.scan.msk.u32 $0xffff, v7  }
0x87: {  	(xrf0) =	vmax.scan.msk.u32 $0xffff, v8;
	_ =	sdelay $0x4  }
0x88: {  	v7, _, _ =	vpop (xrf0)  }
0x89: {  	v8, _, _ =	vpop (xrf0);
	(v2sf) =	vpush v7, $0xF  }
0x8a: {  	(v2sf) =	vpush v8, $0xF;
	_ =	sdelay $0xd  }
0x8b: {  	s11 =	spop (v2sf)  }
0x8c: {  	s11 =	sadd.s32 s11, s25;
	s25 =	spop (v2sf)  }
0x8d: {  	s31 =	sxor.u32 $0x80000000, s25;
	s25 =	sadd.s32 $0x80000000, s11  }
0x8e: {  	p2 =	slt.s32 s31, $0x1;
	s24 =	sadd.s32 s24, s31  }
0x8f: {  	vm2 =	vlt.f32 @!p2 v5, $0.0e+00;
	v7 =	vimm.s32 @!p2 $0x0  }
.Ltmp6:
0x90: {  	v7 =	vsel @!p2 vm2, $0x7FFFFFFF, v7;
	(pc) =	sbr.rel @!p1 .LBB2_4-.Ltmp6, $4  }
0x91: {  	v7 =	vxor.u32 @!p2 v5, v7  }
0x92: {  	[tilespmem:s0+$0x2780] =	vst.msk @!p2 vm1, v7  }
0x93: {  	[tilespmem:s0+$0x3800] =	vst.msk @!p2 vm1, v5  }
0x94: {  	s1 =	sadd.s32 $0x10, s1;
	[tilespmem:s0+$0x4880] =	vst.msk @!p2 vm1, v6  }
.LBB2_5:
0x95: {  	s0 =	sadd.s32 $0xFFFFEFFF, s25  }
0x96: {  	p1 =	sgt.u32 s0, $0xFFFFF026  }
.Ltmp7:
0x97: {  	_ = 	snop;
	(pc) =	sbr.rel @p1 .LBB2_12-.Ltmp7, $1  }
0x98: {  	_ =	sdelay $0x3  }
.LBB2_6:
.Ltmp8:
0x99: {  	(pc) =	sbr.rel .LBB2_7-.Ltmp8, $3  }
0x9a: {  	_ =	sdelay $0x1  }
0x9b: {  	s26 =	sshra.s32 s26, $0x2  }
0x9c: {  	s0 =	sshll.u32 s28, $0x4;
	s29 =	simm.f32 $-1.000000000e+09;
	s30 =	simm.f32 $4.000000000e+09  }
.LBB2_10:
0x9d: {  	s1 =	sadd.s32 $0xFFFFEFFF, s25  }
0x9e: {  	p1 =	sgt.u32 s1, $0xFFFFF026  }
0x9f: {  	p2 =	slt.u32 @!p1 s22, $0x2F  }
0xa0: {  	p2 =	por p1, !p2  }
.Ltmp9:
0xa1: {  	_ = 	snop;
	(pc) =	sbr.rel @p2 .LBB2_11-.Ltmp9, $2  }
0xa2: {  	_ =	sdelay $0x2  }
0xa3: {  	s22 =	sadd.s32 $0x1, s22  }
.LBB2_7:
0xa4: {  	p1 =	slt.s32 s25, $0x28;
	p2 =	sgt.s32 s25, $0x1000;
	s1 =	smul.f32 $2.500000000e-01, s21  }
0xa5: {  	s11 =	smul.f32 $4.000000000e+00, s21;
	s30 =	smov.u32 @p2 s21;
	p2 =	sgt.f32 s21, $0.0e+00  }
0xa6: {  	s29 =	smov.u32 @p1 s21;
	p3 =	slt.f32 s30, $3.900000000e+09;
	s21 =	smov.u32 s1  }
0xa7: {  	p4 =	sgt.f32 s29, $-9.000000000e+08;
	s24 =	sadd.f32 s30, s29;
	s21 =	smov.u32 @p2 s11  }
.Ltmp10:
0xa8: {  	s11 =	smov.u32 @p2 s1;
	s25 =	sadd.f32 $1.000000000e+00, s21;
	(pc) =	sbr.rel @p0 .LBB2_10-.Ltmp10, $4  }
0xa9: {  	s1 =	smul.f32 $5.000000000e-01, s24;
	s21 =	sadd.f32 $-1.000000000e+00, s11  }
0xaa: {  	_ = 	snop  }
0xab: {  	s25 =	smov.u32 @p3 s1;
	s21 =	smov.u32 @p4 s1  }
0xac: {  	s24 =	simm.s32 $0x0;
	s21 =	smov.u32 @p1 s25;
	s25 =	simm.s32 $0x0  }
0xad: {  	v5 =	vld [tilespmem:s26+$0x0];
	_ =	sdelay $0x3  }
0xae: {  	v4 =	vmov s21;
	v6 =	vor.u32 s0, v0  }
0xaf: {  	vm2 =	vge.s32 v6, v2;
	vm1 =	vlt.f32 v5, v4  }
0xb0: {  	p1 =	por $0x1, $0x1;
	vm3 =	vmmov vm0;
	vm1 =	vmand vm2, vm1;
	vm2 =	vlt.s32 v6, v3  }
0xb1: {  	vm3 =	vmneg @p1 vm3;
	vm1 =	vmand vm2, vm1  }
0xb2: {  	vm2 =	vmand vm3, vm1;
	v7 =	vmpcnt.ones.xlane vm1  }
0xb3: {  	v8 =	vmpcnt.ones.xlane vm2  }
0xb4: {  	v7 =	vxor.u32 $0x80000000, v7  }
0xb5: {  	v8 =	vxor.u32 $0x80000000, v8;
	(xrf0) =	vmax.scan.msk.u32 $0xffff, v7  }
0xb6: {  	(xrf0) =	vmax.scan.msk.u32 $0xffff, v8;
	_ =	sdelay $0x4  }
0xb7: {  	v7, _, _ =	vpop (xrf0)  }
0xb8: {  	v8, _, _ =	vpop (xrf0);
	(v2sf) =	vpush v7, $0xF  }
0xb9: {  	(v2sf) =	vpush v8, $0xF;
	_ =	sdelay $0xd  }
0xba: {  	s1 =	spop (v2sf)  }
0xbb: {  	s11 =	spop (v2sf)  }
0xbc: {  	s11 =	sxor.u32 $0x80000000, s11  }
0xbd: {  	s31 =	sadd.s32 $0xFFFFFFFF, s23;
	p1 =	slt.s32 s11, $0x1  }
0xbe: {  	p2 =	sne.s32 s31, $0x0;
	vm1 =	vlt.f32 @!p1 v5, $0.0e+00;
	v7 =	vimm.s32 @!p1 $0x0  }
.Ltmp11:
0xbf: {  	v7 =	vsel @!p1 vm1, $0x7FFFFFFF, v7;
	(pc) =	sbr.rel @!p2 .LBB2_10-.Ltmp11, $4  }
0xc0: {  	s28 =	simm.s32 $0x0;
	v7 =	vxor.u32 @!p1 v5, v7  }
0xc1: {  	s1 =	sadd.s32 $0x0, s1;
	[tilespmem:s28+$0x2780] =	vst.msk @!p1 vm2, v7  }
0xc2: {  	s25 =	sadd.s32 $0x80000000, s1;
	[tilespmem:s28+$0x3800] =	vst.msk @!p1 vm2, v5  }
0xc3: {  	s1 =	sadd.s32 $0x10, s26;
	s24 =	sadd.s32 $0x0, s11;
	[tilespmem:s28+$0x4880] =	vst.msk @!p1 vm2, v6;
	s28 =	smov.u32 s0  }
.LBB2_9:
0xc4: {  	v5 =	vld [tilespmem:s1+$0x0]  }
0xc5: {  	s11 =	smov.u32 s24;
	_ =	sdelay $0x1  }
0xc6: {  	s31 =	sadd.s32 $0xFFFFFFFF, s31;
	s28 =	sadd.s32 $0x10, s28  }
0xc7: {  	p1 =	sne.s32 s31, $0x0;
	v6 =	vor.u32 s28, v0  }
0xc8: {  	vm2 =	vge.s32 v6, v2;
	vm1 =	vlt.f32 v5, v4  }
0xc9: {  	vm1 =	vmand vm2, vm1;
	vm2 =	vlt.s32 v6, v3  }
0xca: {  	p2 =	slt.s32 s24, $0x1000;
	vm2 =	vmand vm2, vm1;
	vm1 =	vmmov vm0  }
0xcb: {  	vm1 =	vmneg @p2 vm1  }
0xcc: {  	v7 =	vmpcnt.ones.xlane vm2;
	vm1 =	vmand vm1, vm2  }
0xcd: {  	v8 =	vmpcnt.ones.xlane vm1  }
0xce: {  	v7 =	vxor.u32 $0x80000000, v7  }
0xcf: {  	v8 =	vxor.u32 $0x80000000, v8;
	(xrf0) =	vmax.scan.msk.u32 $0xffff, v7  }
0xd0: {  	(xrf0) =	vmax.scan.msk.u32 $0xffff, v8;
	_ =	sdelay $0x4  }
0xd1: {  	v7, _, _ =	vpop (xrf0)  }
0xd2: {  	v8, _, _ =	vpop (xrf0);
	(v2sf) =	vpush v7, $0xF  }
0xd3: {  	(v2sf) =	vpush v8, $0xF;
	_ =	sdelay $0xd  }
0xd4: {  	s13 =	spop (v2sf)  }
0xd5: {  	s13 =	sadd.s32 s13, s25;
	s25 =	spop (v2sf)  }
0xd6: {  	s17 =	sxor.u32 $0x80000000, s25;
	s25 =	sadd.s32 $0x80000000, s13  }
0xd7: {  	p2 =	slt.s32 s17, $0x1;
	s24 =	sadd.s32 s24, s17  }
0xd8: {  	vm2 =	vlt.f32 @!p2 v5, $0.0e+00;
	v7 =	vimm.s32 @!p2 $0x0  }
.Ltmp12:
0xd9: {  	v7 =	vsel @!p2 vm2, $0x7FFFFFFF, v7;
	(pc) =	sbr.rel @p1 .LBB2_9-.Ltmp12, $4  }
0xda: {  	v7 =	vxor.u32 @!p2 v5, v7  }
0xdb: {  	[tilespmem:s11+$0x2780] =	vst.msk @!p2 vm1, v7  }
0xdc: {  	[tilespmem:s11+$0x3800] =	vst.msk @!p2 vm1, v5  }
0xdd: {  	s1 =	sadd.s32 $0x10, s1;
	[tilespmem:s11+$0x4880] =	vst.msk @!p2 vm1, v6  }
.Ltmp13:
0xde: {  	_ = 	snop;
	(pc) =	sbr.rel .LBB2_10-.Ltmp13, $1  }
0xdf: {  	_ =	sdelay $0x3  }
.LBB2_11:
0xe0: {  	s24 =	smov.u32 @p1 s24  }
.LBB2_12:
.Ltmp14:
0xe1: {  	s1 =	sadd.s32 $0xF, s24;
	(pc) =	sbr.rel .LBB2_13-.Ltmp14, $4  }
0xe2: {  	s0 =	sshra.s32 s1, $0x1F  }
0xe3: {  	s0 =	sshrl.u32 s0, $0x1C  }
0xe4: {  	p0 =	slt.s32 s1, $0x10;
	s0 =	sadd.s32 s0, s1  }
0xe5: {  	[tilespmem:s24+$0x2780] =	vst v1;
	s1 =	simm.s32 $0x0;
	s23 =	sshra.s32 s0, $0x4;
	s0 =	simm.s32 $0x0  }
.LBB2_16:
0xe6: {  	v3 =	vmpcnt.ones.xlane vm1;
	_ =	sdelay $0x1  }
0xe7: {  	v2 =	vadd.s32 v2, v3  }
0xe8: {  	v2 =	vxor.u32 $0x80000000, v2  }
.LBB2_17:
0xe9: {  	(xrf0) =	vmax.scan.msk.u32 $0xffff, v2;
	_ =	sdelay $0x5  }
0xea: {  	v2, _, _ =	vpop (xrf0)  }
0xeb: {  	(v2sf) =	vpush v2, $0xF;
	_ =	sdelay $0xa  }
0xec: {  	s1 =	sadd.s32 $0x1, s1  }
0xed: {  	p2 =	sne.s32 s1, $0x20  }
.Ltmp15:
0xee: {  	_ = 	snop;
	(pc) =	sbr.rel @!p2 .LBB2_18-.Ltmp15, $4  }
0xef: {  	_ = 	snop  }
0xf0: {  	s13 =	spop (v2sf)  }
0xf1: {  	p1 =	slt.u32 s13, $0x80000028  }
0xf2: {  	s0 =	smov.u32 @p1 s11  }
.LBB2_13:
.Ltmp16:
0xf3: {  	(pc) =	sbr.rel @p0 .LBB2_17-.Ltmp16, $3  }
0xf4: {  	_ =	sdelay $0x1  }
0xf5: {  	s11 =	sshrl.u32 s16, s1  }
0xf6: {  	v2 =	vimm.s32 $0x80000000;
	s11 =	sor.u32 s11, s0  }
0xf7: {  	s13 =	simm.s32 $0x2780  }
0xf8: {  	p1 =	sne.s32 s23, $0x1;
	v4 =	vld [tilespmem:s13+$0x0]  }
.Ltmp17:
0xf9: {  	_ = 	snop;
	(pc) =	sbr.rel @!p1 .LBB2_16-.Ltmp17, $4  }
0xfa: {  	_ = 	snop  }
0xfb: {  	s31 =	sxor.u32 $0x80000000, s11  }
0xfc: {  	v3 =	vmov s31  }
0xfd: {  	v2 =	vimm.s32 $0x0;
	s21 =	sadd.s32 $0xFFFFFFFF, s23;
	s22 =	simm.s32 $0x2790;
	vm1 =	vlt.s32 v4, v3  }
.LBB2_15:
0xfe: {  	v4 =	vld [tilespmem:s22+$0x0];
	p1 =	sne.s32 s21, $0x1;
	s21 =	sadd.s32 $0xFFFFFFFF, s21;
	v5 =	vmpcnt.ones.xlane vm1  }
.Ltmp18:
0xff: {  	(pc) =	sbr.rel @p1 .LBB2_15-.Ltmp18, $2  }
0x100: {  	v2 =	vadd.s32 v2, v5;
	_ =	sdelay $0x2  }
0x101: {  	s22 =	sadd.s32 $0x10, s22;
	vm1 =	vlt.s32 v4, v3  }
.Ltmp19:
0x102: {  	_ = 	snop;
	(pc) =	sbr.rel .LBB2_16-.Ltmp19, $1  }
0x103: {  	_ =	sdelay $0x3  }
.LBB2_18:
.Ltmp20:
0x104: {  	(pc) =	sbr.rel @p0 .LBB2_24-.Ltmp20, $1  }
0x105: {  	_ =	sdelay $0x3  }
0x106: {  	s21 =	simm.s32 $0x2780  }
0x107: {  	p0 =	sne.s32 s23, $0x1;
	v4 =	vld [tilespmem:s21+$0x0]  }
.Ltmp21:
0x108: {  	_ = 	snop;
	(pc) =	sbr.rel @!p0 .LBB2_21-.Ltmp21, $4  }
0x109: {  	_ = 	snop  }
0x10a: {  	s0 =	sxor.u32 $0x80000000, s0  }
0x10b: {  	v2 =	vmov s0  }
0x10c: {  	v3 =	vimm.s32 $0x0;
	s1 =	simm.s32 $0x2790;
	s0 =	sadd.s32 $0xFFFFFFFF, s23;
	vm1 =	vlt.s32 v4, v2  }
.LBB2_20:
0x10d: {  	v4 =	vld [tilespmem:s1+$0x0];
	p0 =	sne.s32 s0, $0x1;
	s0 =	sadd.s32 $0xFFFFFFFF, s0;
	v5 =	vmpcnt.ones.xlane vm1  }
.Ltmp22:
0x10e: {  	(pc) =	sbr.rel @p0 .LBB2_20-.Ltmp22, $2  }
0x10f: {  	v3 =	vadd.s32 v3, v5;
	_ =	sdelay $0x2  }
0x110: {  	s1 =	sadd.s32 $0x10, s1;
	vm1 =	vlt.s32 v4, v2  }
.LBB2_21:
0x111: {  	v4 =	vld [tilespmem:s21+$0x0];
	_ =	sdelay $0x3  }
0x112: {  	v5 =	vmpcnt.ones.xlane vm1  }
0x113: {  	vm1 =	veq.s32 v4, v2  }
0x114: {  	v3 =	vadd.s32 v3, v5;
	v5 =	vmpcnt.ones.xlane vm1  }
0x115: {  	v3 =	vxor.u32 $0x80000000, v3  }
0x116: {  	(xrf0) =	vmax.scan.msk.u32 $0xffff, v3;
	v3 =	vxor.u32 $0x80000000, v5  }
0x117: {  	(xrf0) =	vmax.scan.msk.u32 $0xffff, v3;
	_ =	sdelay $0x4  }
0x118: {  	v3, _, _ =	vpop (xrf0)  }
0x119: {  	vm1 =	vlt.s32 v4, v2;
	(v2sf) =	vpush v3, $0xF;
	v3, _, _ =	vpop (xrf0)  }
0x11a: {  	v5 =	vmpcnt.ones.xlane vm1;
	(v2sf) =	vpush v3, $0xF;
	_ =	sdelay $0x1  }
0x11b: {  	v3 =	vxor.u32 $0x80000000, v5  }
0x11c: {  	(xrf0) =	vmax.scan.msk.u32 $0xffff, v3;
	_ =	sdelay $0x5  }
0x11d: {  	v3, _, _ =	vpop (xrf0)  }
0x11e: {  	(v2sf) =	vpush v3, $0xF;
	_ =	sdelay $0x2  }
0x11f: {  	s22 =	simm.s32 $0x3800  }
0x120: {  	s1 =	simm.s32 $0x4880;
	v3 =	vld [tilespmem:s22+$0x0];
	s0 =	spop (v2sf)  }
0x121: {  	v5 =	vld [tilespmem:s1+$0x0];
	s0 =	sxor.u32 $0x80000000, s0;
	s29 =	spop (v2sf)  }
0x122: {  	s0 =	ssub.s32 $0x28, s0;
	s11 =	sxor.u32 $0x80000000, s29  }
0x123: {  	p0 =	slt.s32 s0, s11  }
0x124: {  	s30 =	simm.s32 $0x0;
	s11 =	smov.u32 @p0 s0  }
0x125: {  	[tilespmem:s30+$0x5900] =	vst.msk vm1, v3;
	p1 =	slt.s32 s11, $0x1  }
0x126: {  	[tilespmem:s30+$0x5980] =	vst.msk vm1, v5;
	vm1 =	veq.s32 @!p1 v4, v2;
	s1 =	simm.s32 @!p1 $0x5A00  }
0x127: {  	[tilespmem:s1+$0x0] =	vst.msk @!p1 vm1, v3;
	s1 =	simm.s32 @!p1 $0x5A80  }
0x128: {  	[tilespmem:s1+$0x0] =	vst.msk @!p1 vm1, v5  }
0x129: {  	v3 =	vld @!p1 [tilespmem:$0x5A00];
	_ =	sdelay $0x1  }
0x12a: {  	s31 =	spop (v2sf)  }
0x12b: {  	v4 =	vmov @!p1 s11;
	v5 =	vlaneseq.u32 @!p1;
	s1 =	sadd.s32 $0x0, s31  }
0x12c: {  	s23 =	sadd.s32 $0xFFFFFFFF, s23;
	vm1 =	vgt.s32 @!p1 v4, v5;
	s1 =	sadd.s32 $0x80000000, s1  }
0x12d: {  	p0 =	sne.s32 s23, $0x0;
	[tilespmem:s1+$0x5900] =	vst.msk @!p1 vm1, v3  }
.Ltmp23:
0x12e: {  	v3 =	vld @!p1 [tilespmem:$0x5A80];
	(pc) =	sbr.rel @!p0 .LBB2_23-.Ltmp23, $2  }
0x12f: {  	_ =	sdelay $0x2  }
0x130: {  	s25 =	simm.s32 $0x4890;
	s24 =	ssub.s32 s0, s11;
	s0 =	sadd.s32 s1, s11  }
.LBB2_22:
0x131: {  	s23 =	sadd.s32 $0xFFFFFFFF, s23;
	[tilespmem:s1+$0x5980] =	vst.msk @!p1 vm1, v3;
	s21 =	sadd.s32 $0x10, s21;
	s22 =	sadd.s32 $0x10, s22  }
0x132: {  	v3 =	vld [tilespmem:s21+$0x0];
	p0 =	sne.s32 s23, $0x0;
	_ =	sdelay $0x4  }
0x133: {  	vm1 =	vlt.s32 v3, v2;
	vm2 =	veq.s32 v3, v2  }
0x134: {  	v4 =	vmpcnt.ones.xlane vm1;
	v5 =	vmpcnt.ones.xlane vm2;
	_ =	sdelay $0x1  }
0x135: {  	v4 =	vxor.u32 $0x80000000, v4;
	v5 =	vxor.u32 $0x80000000, v5  }
0x136: {  	(xrf0) =	vmax.scan.msk.u32 $0xffff, v5  }
0x137: {  	(xrf0) =	vmax.scan.msk.u32 $0xffff, v4;
	_ =	sdelay $0x4  }
0x138: {  	v4, _, _ =	vpop (xrf0)  }
0x139: {  	v5, _, _ =	vpop (xrf0);
	(v2sf) =	vpush v4, $0xF  }
0x13a: {  	(v2sf) =	vpush v5, $0xF;
	_ =	sdelay $0xc  }
0x13b: {  	v4 =	vld [tilespmem:s22+$0x0]  }
0x13c: {  	v5 =	vld [tilespmem:s25+$0x0];
	s1 =	spop (v2sf)  }
0x13d: {  	s11 =	sxor.u32 $0x80000000, s1;
	s1 =	spop (v2sf)  }
0x13e: {  	s1 =	sadd.s32 s1, s0;
	p1 =	slt.s32 s24, s11  }
0x13f: {  	s11 =	smov.u32 @p1 s24  }
0x140: {  	[tilespmem:s0+$0x5900] =	vst.msk vm1, v4;
	p1 =	slt.s32 s11, $0x1;
	s24 =	ssub.s32 s24, s11  }
0x141: {  	[tilespmem:s0+$0x5980] =	vst.msk vm1, v5;
	vm2 =	veq.s32 @!p1 v3, v2;
	s0 =	simm.s32 @!p1 $0x5A00;
	v3 =	vmov @!p1 s11;
	v6 =	vlaneseq.u32 @!p1  }
0x142: {  	[tilespmem:s0+$0x0] =	vst.msk @!p1 vm2, v4;
	s0 =	simm.s32 @!p1 $0x5A80;
	vm1 =	vgt.s32 @!p1 v3, v6  }
0x143: {  	[tilespmem:s0+$0x0] =	vst.msk @!p1 vm2, v5  }
0x144: {  	v3 =	vld @!p1 [tilespmem:$0x5A00];
	_ =	sdelay $0x3  }
0x145: {  	s1 =	sadd.s32 $0x80000000, s1  }
0x146: {  	s0 =	sadd.s32 s1, s11;
	[tilespmem:s1+$0x5900] =	vst.msk @!p1 vm1, v3  }
.Ltmp24:
0x147: {  	v3 =	vld @!p1 [tilespmem:$0x5A80];
	(pc) =	sbr.rel @p0 .LBB2_22-.Ltmp24, $2  }
0x148: {  	_ =	sdelay $0x2  }
0x149: {  	s25 =	sadd.s32 $0x10, s25  }
.Ltmp25:
0x14a: {  	_ = 	snop;
	(pc) =	sbr.rel .LBB2_23-.Ltmp25, $1  }
0x14b: {  	_ =	sdelay $0x3  }
.LBB2_26:
0x14c: {  	_ =	sfence.sel $0x180000  }
0x14d: {  	[bflag:$0x0] =	sbarrier.arrive $0xFFFF  }
0x14e: {  	_ =	strace $0x90000047  }
0x14f: {  	s0 =	stileid.u32;
	[bflag:$0x2] =	sbarrier.arrive $0xFFFF  }
0x150: {  	p0 =	sne.s32 s0, $0x0;
	s0 =	rddreg [dreg:$0x2]  }
0x151: {  	s0 =	sadd.s32 @!p0 $0x100000, s0  }
0x152: {  	[sflag:s0] =	ssyncadd.tile.s32 @!p0 $0x1;
	_ =	shalt  }
.Lfunc_end2:
_tile_overlayer_lowered:
.L_overlay_start_2:
0x153: {  	(tag) =	ssettag $0x2  }
0x154: {  	s0 =	rddreg [dreg:$0x0];
	s2 =	stileid.u32  }
0x155: {  	s1 =	rddreg [dreg:$0x1];
	p0 =	sne.s32 s2, $0x0  }
0x156: {  	s3 =	rddreg [dreg:$0x2];
	[bflag:$0x3] =	sbarrier.arrive $0xFFFF;
	s2 =	simm.s32 @!p0 $0x1C01  }
0x157: {  	[timem:s3], [sflag:s2] =	dma.local @!p0 [hbm:s0], s1  }
0x158: {  	s0 =	simm.s32 @!p0 $0x1  }
0x159: {  	_ =	swait.ge @!p0 [sflag:s0], s1  }
0x15a: {  	s1 =	ssub.s32 @!p0 $0x0, s1;
	[sflag:s0] =	ssyncset.done @!p0 $0x0  }
0x15b: {  	[sflag:s0] =	ssyncadd.s32 @!p0 s1  }
0x15c: {  	[bflag:$0x3] =	sbarrier.arrive $0xFFFF  }
0x15d: {  	_ =	shalt  }

</sc_bundles>
